<compile_context>
chip_gen: v7x
topology: tpu7x:2x2x1
jax: 0.10.2.dev20260603
libtpu: 0.0.44.dev20260713+nightly
codegen_flags: <defaults>
</compile_context>

<pallas_src>
import jax
import jax.numpy as jnp
import numpy as np
from jax.experimental import pallas as pl


def _fps(pos, m):
    def body(i, state):
        sel, dists = state
        last = sel[i - 1]
        d = jnp.sum((pos - pos[last]) ** 2, axis=-1)
        dists = jnp.minimum(dists, d)
        nxt = jnp.argmax(dists).astype(jnp.int32)
        sel = sel.at[i].set(nxt)
        return (sel, dists)
    sel0 = jnp.zeros((m,), dtype=jnp.int32)
    d0 = jnp.sum((pos - pos[0]) ** 2, axis=-1)
    sel, _ = jax.lax.fori_loop(1, m, body, (sel0, d0))
    return sel


def _knn(x, y, k):
    d = jnp.sum(y * y, axis=1)[:, None] + jnp.sum(x * x, axis=1)[None, :] - 2.0 * (y @ x.T)
    _, idx = jax.lax.top_k(-d, k)
    m = y.shape[0]
    row = jnp.repeat(jnp.arange(m), k)
    col = idx.reshape(-1)
    return row, col


def _posenc(coords, L=10):
    freq = (2.0 ** jnp.arange(L, dtype=coords.dtype)) * np.pi
    scaled = coords[..., None] * freq
    enc = jnp.stack([jnp.sin(scaled), jnp.cos(scaled)], axis=-1).reshape(coords.shape[0], -1)
    return jnp.concatenate([coords, enc], axis=-1)


def _identity_kernel(x_ref, o_ref):
    o_ref[...] = x_ref[...]


def kernel(pos, s1l0w, s1l0b, s1l1w, s1l1b, s1l2w, s1l2b, s1g0w, s1g0b, s1g1w, s1g1b, s2l0w, s2l0b, s2l1w, s2l1b, s2l2w, s2l2b, s2g0w, s2g0b, s2g1w, s2g1b):
    kw = dict(locals())

    def mlp(h, pre, n):
        for i in range(n):
            h = h @ kw[pre + str(i) + "w"] + kw[pre + str(i) + "b"]
            if i < n - 1:
                h = jax.nn.relu(h)
        return h

    idx1 = _fps(pos, 1024)
    row1, col1 = _knn(pos, pos[idx1], 32)
    pos1 = pos[idx1]
    pd = pos[col1] - pos1[row1]
    h = mlp(_posenc(pd), "s1l", 3)
    o1 = jax.ops.segment_max(h, row1, num_segments=1024)
    x1 = mlp(o1, "s1g", 2)

    idx2 = _fps(pos1, 128)
    row2, col2 = _knn(pos1, pos1[idx2], 32)
    pos2 = pos1[idx2]
    pd2 = pos1[col2] - pos2[row2]
    e2 = jnp.concatenate([x1[col2], _posenc(pd2)], axis=-1)
    h2 = mlp(e2, "s2l", 3)
    o2 = jax.ops.segment_max(h2, row2, num_segments=128)
    x2 = mlp(o2, "s2g", 2)

    x2 = pl.pallas_call(
        _identity_kernel,
        out_shape=jax.ShapeDtypeStruct(x2.shape, x2.dtype),
    )(x2)
    return (x2, pos2)

# --- scband reference (transcript-rebuilt; emitter-appended) ---
"""Pipeline reference for scband-point-net-plus-plus-encoder-77713138254056 (READ-ONLY COPY).

The authoritative reference and input builder live on the scoring server;
editing this copy changes nothing except your own understanding.
"""

import jax, jax.numpy as jnp
import numpy as np

DIMS = [("s1l", [63, 128, 128, 128]), ("s1g", [128, 256, 256]), ("s2l", [319, 512, 512, 512]), ("s2g", [512, 512, 512])]


def fps(pos, m):
    def body(i, state):
        sel, dists = state
        last = sel[i - 1]
        d = jnp.sum((pos - pos[last]) ** 2, axis=-1)
        dists = jnp.minimum(dists, d)
        nxt = jnp.argmax(dists).astype(jnp.int32)
        sel = sel.at[i].set(nxt)
        return (sel, dists)
    sel0 = jnp.zeros((m,), dtype=jnp.int32)
    d0 = jnp.sum((pos - pos[0]) ** 2, axis=-1)
    sel, _ = jax.lax.fori_loop(1, m, body, (sel0, d0))
    return sel


def knn(x, y, k):
    d = jnp.sum(y * y, axis=1)[:, None] + jnp.sum(x * x, axis=1)[None, :] - 2.0 * (y @ x.T)
    _, idx = jax.lax.top_k(-d, k)
    m = y.shape[0]
    row = jnp.repeat(jnp.arange(m), k)
    col = idx.reshape(-1)
    return row, col


def posenc(coords, L=10):
    freq = (2.0 ** jnp.arange(L, dtype=coords.dtype)) * np.pi
    scaled = coords[..., None] * freq
    enc = jnp.stack([jnp.sin(scaled), jnp.cos(scaled)], axis=-1).reshape(coords.shape[0], -1)
    return jnp.concatenate([coords, enc], axis=-1)


def setup_inputs(seed: int = 0):
    key = jax.random.key(seed)
    inp = {"pos": jax.random.normal(jax.random.fold_in(key, 0), (16384, 3), dtype=jnp.float32)}
    c = 1
    for pre, ds in DIMS:
        for j in range(len(ds) - 1):
            inp[pre + str(j) + "w"] = jax.random.normal(jax.random.fold_in(key, c), (ds[j], ds[j + 1]), dtype=jnp.float32) * (1.0 / np.sqrt(ds[j]))
            c += 1
            inp[pre + str(j) + "b"] = jax.random.normal(jax.random.fold_in(key, c), (ds[j + 1],), dtype=jnp.float32) * 0.01
            c += 1
    return inp


def reference(pos, s1l0w, s1l0b, s1l1w, s1l1b, s1l2w, s1l2b,
              s1g0w, s1g0b, s1g1w, s1g1b,
              s2l0w, s2l0b, s2l1w, s2l1b, s2l2w, s2l2b,
              s2g0w, s2g0b, s2g1w, s2g1b):
    kw = dict(locals())
    pos = kw["pos"]

    def mlp(h, pre, n):
        for i in range(n):
            h = h @ kw[pre + str(i) + "w"] + kw[pre + str(i) + "b"]
            if i < n - 1:
                h = jax.nn.relu(h)
        return h

    # SA1: ratio 0.0625 -> 1024 centroids
    idx1 = fps(pos, 1024)
    row1, col1 = knn(pos, pos[idx1], 32)
    pos1 = pos[idx1]
    pd = pos[col1] - pos1[row1]
    h = mlp(posenc(pd), "s1l", 3)
    o1 = jax.ops.segment_max(h, row1, num_segments=1024)
    x1 = mlp(o1, "s1g", 2)

    # SA2: ratio 0.125 -> 128 keypoints
    idx2 = fps(pos1, 128)
    row2, col2 = knn(pos1, pos1[idx2], 32)
    pos2 = pos1[idx2]
    pd2 = pos1[col2] - pos2[row2]
    e2 = jnp.concatenate([x1[col2], posenc(pd2)], axis=-1)
    h2 = mlp(e2, "s2l", 3)
    o2 = jax.ops.segment_max(h2, row2, num_segments=128)
    x2 = mlp(o2, "s2g", 2)
    return (x2, pos2)

if __name__ == "__main__":
    import jax
    _d = setup_inputs()
    print(jax.jit(kernel)(*tuple(_d.values())))

</pallas_src>

<mosaic_0001>
module attributes {stable_mosaic.version = 14 : i64} {
  func.func @_identity_kernel(%arg0: memref<128x512xf32, #tpu.memory_space<vmem>>, %arg1: memref<128x512xf32, #tpu.memory_space<vmem>>) attributes {dimension_semantics = [], scalar_prefetch = 0 : i64, scratch_operands = 0 : i64, tpu.core_type = #tpu.core_type<tc>} {
    %get3A = arith.constant 0 : index
    %get3A_0 = arith.constant 0 : index
    %get3A_1 = vector.load %arg0[%get3A, %get3A_0] : memref<128x512xf32, #tpu.memory_space<vmem>>, vector<128x512xf32>
    %swap3A = arith.constant 0 : index
    %swap3A_2 = arith.constant 0 : index
    %swap3A_3 = vector.load %arg1[%swap3A, %swap3A_2] : memref<128x512xf32, #tpu.memory_space<vmem>>, vector<128x512xf32>
    tpu.vector_store %arg1[%swap3A, %swap3A_2], %get3A_1 {strides = array<i32>} : memref<128x512xf32, #tpu.memory_space<vmem>>, vector<128x512xf32>,
    return
  }
}

</mosaic_0001>

<sc_bundles>
// kernel: scatter_offload_async_start.1
scs
__scs_entry_jumppad:
0x0: {  	(pc) =	sbr.rel $0x88, $3  }
0x1: {  	(tag) =	ssettag $0x0;
	lr =	simm.s32 $0x1  }
0x2: {  	[smem:$0x3F8C] =	sst lr;
	_ =	strace $0xD0000000  }
0x3: {  	_ = 	snop  }
0x4: {  	_ = 	snop  }
0x5: {  	_ = 	snop  }
0x6: {  	_ = 	snop  }
0x7: {  	_ = 	snop  }
__scs_overlays_trampoline_lowered:
0x8: {  	[smem:$0x3F9B] =	sst s0  }
0x9: {  	[smem:$0x3F9C] =	sst s1  }
0xa: {  	[smem:$0x3F9D] =	sst s2  }
0xb: {  	[smem:$0x3F9E] =	sst s3  }
0xc: {  	[smem:$0x3F9F] =	sst s4  }
0xd: {  	[smem:$0x3FA0] =	sst s5  }
0xe: {  	[smem:$0x3FA1] =	sst s6  }
0xf: {  	[smem:$0x3FA2] =	sst s7  }
0x10: {  	[smem:$0x3FA3] =	sst s8  }
0x11: {  	[smem:$0x3FA4] =	sst s9;
	s0 =	simm.s32 @!p0 $0x0  }
0x12: {  	s1 =	sld [smem:$0x3F8A];
	s0 =	simm.s32 @p0 $0x1  }
0x13: {  	[smem:$0x3FA5] =	sst s0;
	s0 =	simm.s32 @!p1 $0x0  }
0x14: {  	s2 =	sld [smem:$0x3F89];
	s0 =	simm.s32 @p1 $0x1  }
0x15: {  	[smem:$0x3FA6] =	sst s0;
	s0 =	simm.s32 @!p2 $0x0  }
0x16: {  	s3 =	sld [smem:$0x3FDB];
	s0 =	simm.s32 @p2 $0x1  }
0x17: {  	s4 =	simm.s32 $0x1BF5;
	[smem:$0x3FA8] =	sst s0  }
0x18: {  	s0 =	sld [smem:$0x3F8B];
	_ =	swait.ge [sflag:s4], $0x0  }
0x19: {  	s7 =	sld [smem:$0x3F8C]  }
0x1a: {  	s8 =	sadd.s32 $0xFFFFE003, lr  }
0x1b: {  	s9 =	sadd.s32 $0xFFFFFEF7, lr;
	s5 =	simm.s32 $0xFFFFFFFF;
	p2 =	slt.u32 s8, $0xFFFFF086  }
0x1c: {  	p1 =	slt.u32 s9, $0xF7A;
	s5 =	simm.s32 @!p2 $0x0  }
0x1d: {  	s5 =	simm.s32 @p1 $0x1;
	p0 =	seq.s32 s7, s2  }
0x1e: {  	s7 =	smul.u32 @!p0 $0xF7A, s2;
	p2 =	seq.s32 @!p0 s5, $0x0  }
0x1f: {  	s9 =	smul.u32 $0xF7A, s1;
	s8 =	simm.s32 @!p0 $0x1BF5;
	p2 =	por !p2, p0  }
0x20: {  	[sflag:s8] =	ssyncset.s32 @!p0 $0xFFFFF086;
	s6 =	sadd.s32 @!p0 s3, s7;
	s7 =	simm.s32 @!p0 $0x108  }
0x21: {  	s3 =	sadd.s32 s3, s9;
	s6 =	sadd.s32 @!p0 $0x88, s6;
	s7 =	simm.s32 @p2 $0x1082  }
0x22: {  	[simem:s7], [sflag:s8] =	dma.local @!p0 [hbm:s6], $0xF7A  }
0x23: {  	s9 =	sor.u32 $0xD0000000, s2;
	s6 =	simm.s32 $0x108;
	_ =	swait.ge @!p0 [sflag:s8], $0x0  }
0x24: {  	s3 =	sadd.s32 $0x88, s3;
	s6 =	simm.s32 @!p1 $0x1082;
	[sflag:s4] =	ssyncset.s32 $0xFFFFF086  }
0x25: {  	[simem:s6], [sflag:s4] =	dma.local [hbm:s3], $0xF7A  }
0x26: {  	[smem:$0x3F8C] =	sst s1;
	(tag) =	ssettag s2;
	_ =	strace s9  }
0x27: {  	s1 =	sld [smem:$0x3F9C]  }
0x28: {  	s2 =	sld [smem:$0x3F9D]  }
0x29: {  	s4 =	sld [smem:$0x3F9F]  }
0x2a: {  	p0 =	seq.s32 s5, $0x0;
	s5 =	sld [smem:$0x3FA0]  }
0x2b: {  	s6 =	sld [smem:$0x3FA1]  }
0x2c: {  	s7 =	sld [smem:$0x3FA2]  }
0x2d: {  	s3 =	simm.s32 $0x108;
	s8 =	sld [smem:$0x3FA3]  }
0x2e: {  	s3 =	simm.s32 @!p0 $0x1082;
	s9 =	sld [smem:$0x3FA4]  }
0x2f: {  	lr =	sadd.s32 s0, s3;
	s0 =	sld [smem:$0x3F9B]  }
0x30: {  	s3 =	sld [smem:$0x3F9E]  }
0x31: {  	[smem:$0x3FA7] =	sst s10  }
0x32: {  	s10 =	sld [smem:$0x3FA5];
	_ =	sdelay $0x3  }
0x33: {  	p0 =	seq.s32 s10, $0x1;
	s10 =	sld [smem:$0x3FA7];
	_ =	sdelay $0x3  }
0x34: {  	[smem:$0x3FA7] =	sst s10  }
0x35: {  	s10 =	sld [smem:$0x3FA6];
	_ =	sdelay $0x3  }
0x36: {  	p1 =	seq.s32 s10, $0x1;
	s10 =	sld [smem:$0x3FA7];
	_ =	sdelay $0x3  }
0x37: {  	[smem:$0x3FA7] =	sst s10  }
0x38: {  	s10 =	sld [smem:$0x3FA8]  }
0x39: {  	_ = 	snop;
	(pc) =	sbr.ind lr, $3  }
0x3a: {  	_ = 	snop  }
0x3b: {  	_ = 	snop  }
0x3c: {  	p2 =	seq.s32 s10, $0x1;
	s10 =	sld [smem:$0x3FA7]  }
0x3d: {  	_ =	shalt  }
0x3e: {  	_ =	shalt  }
0x3f: {  	_ =	shalt  }
0x40: {  	_ =	shalt  }
0x41: {  	_ =	shalt  }
0x42: {  	_ =	shalt  }
0x43: {  	_ =	shalt  }
0x44: {  	_ =	shalt  }
0x45: {  	_ =	shalt  }
0x46: {  	_ =	shalt  }
0x47: {  	_ =	shalt  }
0x48: {  	_ =	shalt  }
0x49: {  	_ =	shalt  }
0x4a: {  	_ =	shalt  }
0x4b: {  	_ =	shalt  }
0x4c: {  	_ =	shalt  }
0x4d: {  	_ =	shalt  }
0x4e: {  	_ =	shalt  }
0x4f: {  	_ =	shalt  }
0x50: {  	_ =	shalt  }
0x51: {  	_ =	shalt  }
0x52: {  	_ =	shalt  }
0x53: {  	_ =	shalt  }
0x54: {  	_ =	shalt  }
0x55: {  	_ =	shalt  }
0x56: {  	_ =	shalt  }
0x57: {  	_ =	shalt  }
0x58: {  	_ =	shalt  }
0x59: {  	_ =	shalt  }
0x5a: {  	_ =	shalt  }
0x5b: {  	_ =	shalt  }
0x5c: {  	_ =	shalt  }
0x5d: {  	_ =	shalt  }
0x5e: {  	_ =	shalt  }
0x5f: {  	_ =	shalt  }
0x60: {  	_ =	shalt  }
0x61: {  	_ =	shalt  }
0x62: {  	_ =	shalt  }
0x63: {  	_ =	shalt  }
0x64: {  	_ =	shalt  }
0x65: {  	_ =	shalt  }
0x66: {  	_ =	shalt  }
0x67: {  	_ =	shalt  }
0x68: {  	_ =	shalt  }
0x69: {  	_ =	shalt  }
0x6a: {  	_ =	shalt  }
0x6b: {  	_ =	shalt  }
0x6c: {  	_ =	shalt  }
0x6d: {  	_ =	shalt  }
0x6e: {  	_ =	shalt  }
0x6f: {  	_ =	shalt  }
0x70: {  	_ =	shalt  }
0x71: {  	_ =	shalt  }
0x72: {  	_ =	shalt  }
0x73: {  	_ =	shalt  }
0x74: {  	_ =	shalt  }
0x75: {  	_ =	shalt  }
0x76: {  	_ =	shalt  }
0x77: {  	_ =	shalt  }
0x78: {  	_ =	shalt  }
0x79: {  	_ =	shalt  }
0x7a: {  	_ =	shalt  }
0x7b: {  	_ =	shalt  }
0x7c: {  	_ =	shalt  }
0x7d: {  	_ =	shalt  }
0x7e: {  	_ =	shalt  }
0x7f: {  	_ =	shalt  }
0x80: {  	_ =	shalt  }
0x81: {  	_ =	shalt  }
0x82: {  	_ =	shalt  }
0x83: {  	_ =	shalt  }
0x84: {  	_ =	shalt  }
0x85: {  	_ =	shalt  }
0x86: {  	_ =	shalt  }
0x87: {  	_ =	shalt  }
.Lfunc_end0:
.L_simem_size_0:
called_computation.1_lowered:
.L_overlay_start_0:
0x88: {  	s2 =	sld [smem:$0x3FD9]  }
0x89: {  	s3 =	sld [smem:$0x3FFE];
	_ =	sdelay $0x1  }
0x8a: {  	s1 =	srdreg.scid  }
0x8b: {  	s0 =	sand.u32 $0x1, s1  }
0x8c: {  	s13 =	sshll.u32 s0, $0xA;
	s2 =	sadd.s32 s3, s2  }
0x8d: {  	s2 =	sadd.s32 s2, s13  }
0x8e: {  	[smem:$0x3FB3] =	sst s2  }
0x8f: {  	_ = 	snop  }
0x90: {  	s2 =	sld [smem:$0x3FD0];
	_ =	sdelay $0x2  }
0x91: {  	s14 =	simm.s32 $0xA;
	s4 =	simm.s32 $0x10  }
0x92: {  	[smem:s4], [sflag:s14] =	dma.local [hbm:s2], $0x1  }
0x93: {  	_ =	swait.eq [sflag:s14], $0x1  }
0x94: {  	[sflag:s14] =	ssyncset.done $0x0  }
0x95: {  	[sflag:s14] =	ssyncadd.s32 $0xFFFFFFFF  }
0x96: {  	s15 =	sld [smem:$0x10];
	(tm) =	ssettm $0x1  }
0x97: {  	s16 =	sld [smem:$0x3FFB];
	_ =	sdelay $0x3  }
0x98: {  	_ =	strace s16  }
0x99: {  	s3 =	sld [smem:$0x3FFC];
	_ =	sdelay $0x3  }
0x9a: {  	_ =	strace s3  }
0x9b: {  	s3 =	sld [smem:$0x3FFD];
	_ =	sdelay $0x3  }
0x9c: {  	_ =	strace s3  }
0x9d: {  	_ =	strace $0x8FFFFFFF  }
0x9e: {  	s17 =	sld [smem:$0x3FDB];
	_ =	sdelay $0x1  }
0x9f: {  	s18 =	simm.s32 $_scs_section_size  }
0xa0: {  	s5 =	simm.s32 $_size__tile_overlayer_lowered;
	s6 =	simm.s32 $_tile_overlayer_lowered  }
0xa1: {  	s21 =	simm.s32 $0x1BFF;
	s20 =	sshll.u32 s6, $0x1;
	s3 =	sadd.s32 s18, s17  }
0xa2: {  	s7 =	simm.s32 $0x0;
	s19 =	sshll.u32 s5, $0x1;
	s5 =	sadd.s32 s20, s3  }
0xa3: {  	[timem:s7], [sflag:s21] =	dma.local [hbm:s5], s19  }
0xa4: {  	_ =	swait.ge [sflag:s21], s19  }
0xa5: {  	s4 =	ssub.s32 $0x0, s19;
	[sflag:s21] =	ssyncset.done $0x0  }
0xa6: {  	[sflag:s21] =	ssyncadd.s32 s4;
	_ =	sdelay $0x1  }
0xa7: {  	s22 =	simm.s32 $0x1B8B  }
0xa8: {  	_ =	swait.ge [sflag:s22], $0x1  }
0xa9: {  	[sflag:s22] =	ssyncset.done $0x0  }
0xaa: {  	s23 =	sld [smem:$0x3FFE];
	[sflag:s22] =	ssyncadd.s32 $0xFFFFFFFF  }
0xab: {  	s25 =	simm.s32 $0x1B8E;
	s24 =	sld [smem:$0x0]  }
0xac: {  	s26 =	simm.s32 $execute0_lowered;
	[smem:$0x3FD2] =	sst s25  }
0xad: {  	s6 =	sshll.u32 s26, $0x1;
	_ =	strace $0x80000049;
	[dreg:$0x1] =	wrdreg $0xFFFFFFFF  }
0xae: {  	s28 =	simm.s32 $_size_execute0_lowered;
	s3 =	sadd.s32 s3, s6;
	[dreg:$0x0] =	wrdreg $0x0  }
0xaf: {  	s6 =	sshll.u32 s28, $0x1;
	[dreg:$0x2] =	wrdreg s3  }
0xb0: {  	[dreg:$0x3] =	wrdreg s6  }
0xb1: {  	[dreg:$0x4] =	wrdreg $0xC0  }
0xb2: {  	_ =	task [dreg:s7], $0x5FFFF  }
0xb3: {  	[dreg:$0x1] =	wrdreg $0xFFFFFFFF  }
0xb4: {  	[dreg:$0x0] =	wrdreg $0x60  }
0xb5: {  	[dreg:$0x2] =	wrdreg s15  }
0xb6: {  	[dreg:$0x3] =	wrdreg s23  }
0xb7: {  	[dreg:$0x4] =	wrdreg s1  }
0xb8: {  	[dreg:$0x5] =	wrdreg s24  }
0xb9: {  	[dreg:$0x6] =	wrdreg $0x9  }
0xba: {  	_ =	task.clear_ibuf [dreg:s7], $0x7FFFF;
	_ =	strace $0x90000049  }
0xbb: {  	s29 =	simm.s32 $0x9;
	_ =	strace $0x8000004B  }
0xbc: {  	_ =	swait.ge [sflag:s29], $0x1  }
0xbd: {  	[sflag:s29] =	ssyncadd.s32 $0xFFFFFFFF  }
0xbe: {  	_ =	strace $0x9000004B  }
0xbf: {  	_ =	sfence  }
0xc0: {  	s30 =	sld [smem:$0x0];
	_ =	sdelay $0x2  }
0xc1: {  	s31 =	sshll.u32 s1, $0xD;
	s1 =	sshrl.u32 s1, $0x2  }
0xc2: {  	s3 =	sand.u32 $0x4000, s31;
	s1 =	sadd.s32 s1, s30  }
0xc3: {  	s0 =	sor.u32 s3, s0;
	s1 =	sshll.u32 s1, $0x11  }
0xc4: {  	s0 =	sor.u32 s1, s0  }
0xc5: {  	s0 =	sadd.s32 $0x8F2B, s0  }
0xc6: {  	[sflag:s0] =	ssyncadd.remote.s32 $0x1  }
0xc7: {  	_ =	sfence.sel $0xFFFF  }
0xc8: {  	[dreg:$0x0] =	wrdreg $0xFFFFFFFF;
	(pc) =	sbr.abs _section_cstart, $3  }
0xc9: {  	[dreg:$0x1] =	wrdreg $0xFFFFFFFF  }
0xca: {  	_ =	task.clear_ibuf [dreg:s7], $0x2FFFF;
	_ =	strace $0x9FFFFFFF  }
0xcb: {  	(tm) =	ssettm $0x7FFFFFFF  }
tec
execute0_lowered:
.L_overlay_start_1:
0x0: {  	(tag) =	ssettag $0x1  }
0x1: {  	s1 =	rddreg [dreg:$0x0]  }
0x2: {  	s0 =	rddreg [dreg:$0x1]  }
0x3: {  	s3 =	rddreg [dreg:$0x2];
	_ =	strace $0x8000004A;
	s2 =	simm.s32 $0x1  }
0x4: {  	s4 =	simm.s32 $0x408;
	v0 =	vimm.s32 $0x0;
	[sflag:s2] =	ssyncpa.u1 $0x0  }
0x5: {  	[tilespmem:s4+$0x70] =	vst v0  }
0x6: {  	[tilespmem:s4+$0x60] =	vst v0  }
0x7: {  	[tilespmem:s4+$0x50] =	vst v0  }
0x8: {  	[tilespmem:s4+$0x40] =	vst v0  }
0x9: {  	[tilespmem:s4+$0x30] =	vst v0  }
0xa: {  	s5 =	simm.s32 $0x40;
	s7 =	sadd.s32 $0x400, s0;
	s3 =	sand.u32 $0x1, s3;
	[tilespmem:s4+$0x20] =	vst v0  }
0xb: {  	s2 =	sadd.s32 $0x200, s0;
	[dreg:$0x5] =	wrdreg s3;
	s3 =	sshll.u32 s3, $0x8;
	[tilespmem:s4+$0x10] =	vst v0  }
.LBB2_1:
0xc: {  	s5 =	sadd.s32 $0x40, s5;
	[tilespmem:s4+$0x0] =	vst v0;
	s4 =	sadd.s32 $0x80, s4  }
0xd: {  	p0 =	slt.u32 s5, $0x3100;
	[tilespmem:s4+$0x70] =	vst v0  }
0xe: {  	[tilespmem:s4+$0x60] =	vst v0  }
.Ltmp0:
0xf: {  	[tilespmem:s4+$0x50] =	vst v0;
	(pc) =	sbr.rel @p0 .LBB2_1-.Ltmp0, $4  }
0x10: {  	[tilespmem:s4+$0x40] =	vst v0  }
0x11: {  	[tilespmem:s4+$0x30] =	vst v0  }
0x12: {  	[tilespmem:s4+$0x20] =	vst v0  }
0x13: {  	[tilespmem:s4+$0x10] =	vst v0  }
0x14: {  	s8 =	stileid.u32  }
0x15: {  	s6 =	sshll.u32 s8, $0x1;
	s5 =	smin.u32 s8, $0xB  }
0x16: {  	s5 =	sadd.s32 s5, s6  }
0x17: {  	p0 =	slt.u32 s8, $0xB;
	s12 =	smul.u32 $0x30, s5;
	s5 =	simm.s32 $0x90  }
0x18: {  	s5 =	simm.s32 @!p0 $0x60  }
0x19: {  	s5 =	sadd.s32 s5, s12  }
0x1a: {  	s9 =	smin.u32 s5, $0x800  }
0x1b: {  	s28 =	simm.s32 $0x2;
	s5 =	ssub.s32 s9, s12  }
0x1c: {  	s10 =	simm.s32 $0x9;
	s30 =	simm.s32 $0xA;
	p0 =	sgt.s32 s5, $0x0  }
0x1d: {  	s31 =	simm.s32 $0xB;
	s13 =	simm.s32 $0x1;
	s5 =	simm.s32 @!p0 $0x0  }
0x1e: {  	s15 =	sadd.s32 s3, s2;
	s16 =	sadd.s32 s3, s0;
	s26 =	smul.u32 $0xAAAB, s5  }
0x1f: {  	s25 =	simm.s32 $0x0;
	p1 =	por $0x0, $0x0;
	s19 =	simm.s32 $0x80  }
0x20: {  	s20 =	simm.s32 $0x400;
	s21 =	simm.s32 $0xC;
	s29 =	sshrl.u32 s26, $0x15  }
0x21: {  	s22 =	simm.s32 $0x0;
	[dreg:$0x6] =	wrdreg s6;
	s6 =	smul.u32 $0x30, s29  }
0x22: {  	[tilespmem:s4+$0x0] =	vst v0;
	s24 =	simm.s32 $0x0;
	[sflag:s28] =	ssyncpa.u1 $0x0;
	s17 =	sshll.u32 s8, $0xA  }
.Ltmp1:
0x23: {  	v0 =	vimm.s32 $0xFFFFFFFF;
	p0 =	sne.s32 s5, s6;
	s5 =	simm.s32 $0x1;
	(pc) =	sbr.rel .LBB2_3-.Ltmp1, $4  }
0x24: {  	[dreg:$0x8] =	wrdreg s15;
	[tilespmem:$0xC808] =	vst v0;
	[sflag:s10] =	ssyncpa.u1 $0x0;
	s5 =	simm.s32 @!p0 $0x0  }
0x25: {  	[dreg:$0x9] =	wrdreg s16;
	[sflag:s30] =	ssyncpa.u1 $0x0;
	s14 =	sadd.s32 s29, s5  }
0x26: {  	[sflag:s31] =	ssyncpa.u1 $0x0;
	s18 =	sadd.s32 $0x1, s14;
	[dreg:$0x7] =	wrdreg s14  }
0x27: {  	v0 =	vlaneseq.u32;
	s23 =	smov.u32 s12;
	p0 =	por $0x1, $0x1;
	[dreg:$0xa] =	wrdreg s18  }
.LBB2_33:
0x28: {  	s2 =	sshrl.u32 s4, $0x2  }
.LBB2_35:
0x29: {  	_ =	swait.ge [sflag:s21], s2  }
0x2a: {  	s31 =	ssub.s32 $0x0, s2;
	v1 =	vmov s26;
	vm0 =	veq.s32 v0, $0x0;
	[sflag:s21] =	ssyncset.done $0x0  }
0x2b: {  	vm15 =	veq.s32 v0, $0x2;
	v1 =	vsel vm0, s0, v1;
	[sflag:s21] =	ssyncadd.s32 s31  }
0x2c: {  	v1 =	vsel vm15, s28, v1;
	[sflag:s21] =	ssyncpa.u1 $0x1  }
0x2d: {  	[tilespmem:$0xC808] =	vst v1  }
.LBB2_36:
0x2e: {  	s0 =	sadd.s32 $0x30, s23  }
0x2f: {  	s2 =	smov.u32 s12;
	p2 =	slt.s32 s0, s9  }
0x30: {  	s2 =	smov.u32 @p2 s0;
	p2 =	sne.s32 s24, s18  }
.Ltmp2:
0x31: {  	_ = 	snop;
	(pc) =	sbr.rel @!p2 .LBB2_37-.Ltmp2, $4  }
0x32: {  	_ = 	snop  }
0x33: {  	s25 =	smov.u32 s22  }
0x34: {  	s31 =	sadd.s32 $0x1, s24;
	s22 =	smov.u32 s23;
	p0 =	por !p0, !p0  }
0x35: {  	p1 =	por !p1, !p1;
	s24 =	smov.u32 s31;
	s23 =	smov.u32 s2  }
.LBB2_3:
0x36: {  	p2 =	sge.u32 s24, s14  }
0x37: {  	s0 =	smulhi.u32 @!p2 $0xAAAAAAAB, s24  }
0x38: {  	s2 =	smov.u32 s23;
	p3 =	sgt.s32 @!p2 s23, $0x7D0  }
0x39: {  	s3 =	sshra.s32 @!p2 s23, $0x1F;
	p3 =	por !p3, p2;
	s0 =	sshrl.u32 @!p2 s0, $0x1  }
0x3a: {  	s3 =	sand.u32 @!p2 s3, s23;
	s2 =	simm.s32 @p3 $0x7D0;
	s0 =	smul.u32 @!p2 $0x3, s0  }
0x3b: {  	s2 =	ssub.s32 @!p2 s2, s3  }
0x3c: {  	s2 =	sadd.s32 @!p2 $0xFFFFF830, s2;
	s0 =	ssub.s32 @!p2 s24, s0  }
0x3d: {  	s3 =	sshll.u32 @!p2 s2, $0x2;
	p3 =	sgt.s32 @!p2 s2, $0x2F;
	s0 =	smul.u32 @!p2 $0xC0, s0  }
0x3e: {  	s4 =	sand.u32 @!p2 $0x7, s23;
	s2 =	ssub.s32 @!p2 $0xC0, s3;
	p3 =	por !p3, p2  }
0x3f: {  	s3 =	sshrl.u32 @!p2 s23, $0x3;
	s2 =	sshrl.u32 @!p2 s2, $0x2;
	s0 =	sshrl.u32 @!p2 s0, $0x2  }
0x40: {  	s3 =	sadd.s32 @!p2 s3, s15;
	s2 =	simm.s32 @!p3 $0x0;
	s0 =	sadd.s32 @!p2 $0x10848, s0  }
0x41: {  	[tilespmem:s0], [sflag:$0xA] =	stream.linear.gather @!p2 [hbm4b:s3+s4], s2, $0x38;
	[tilespmem:$0x1C938] =	vst v63  }
0x42: {  	s2 =	sadd.s32 $0xFFFFFFFF, s24  }
0x43: {  	p2 =	sge.u32 s2, s14  }
0x44: {  	p3 =	sgt.s32 @!p2 s22, $0x7D0  }
0x45: {  	s0 =	smov.u32 s22;
	s3 =	sshra.s32 @!p2 s22, $0x1F;
	p3 =	por !p3, p2  }
0x46: {  	s3 =	sand.u32 @!p2 s3, s22;
	s0 =	simm.s32 @p3 $0x7D0  }
0x47: {  	s0 =	ssub.s32 @!p2 s0, s3  }
0x48: {  	s0 =	sadd.s32 @!p2 $0xFFFFF830, s0  }
0x49: {  	s3 =	sshll.u32 @!p2 s0, $0x2  }
0x4a: {  	p3 =	sgt.s32 @!p2 s0, $0x2F;
	s0 =	ssub.s32 @!p2 $0xC0, s3  }
0x4b: {  	p3 =	por !p3, p2;
	s0 =	sshrl.u32 @!p2 s0, $0x2  }
0x4c: {  	s4 =	simm.s32 @!p2 $0xA;
	s3 =	sand.u32 @!p2 $0x1, s2;
	s0 =	simm.s32 @!p3 $0x0  }
0x4d: {  	s3 =	smul.u32 @!p2 $0xC0, s3;
	_ =	swait.ge @!p2 [sflag:s4], s0  }
0x4e: {  	s5 =	ssub.s32 @!p2 $0x0, s0;
	[sflag:s4] =	ssyncset.done @!p2 $0x0  }
0x4f: {  	s3 =	sshrl.u32 @!p2 s3, $0x2;
	[sflag:s4] =	ssyncadd.s32 @!p2 s5;
	s4 =	sshrl.u32 @!p2 s22, $0x3  }
0x50: {  	s3 =	sadd.s32 @!p2 $0x108D8, s3;
	s5 =	sand.u32 @!p2 $0x7, s22;
	s4 =	sadd.s32 @!p2 s4, s16  }
0x51: {  	[tilespmem:s3], [sflag:$0xB] =	stream.linear.gather @!p2 [hbm4b:s4+s5], s0, $0x38;
	[tilespmem:$0x1C938] =	vst v63  }
0x52: {  	s0 =	ssub.s32 @!p2 $0x800, s22  }
0x53: {  	p3 =	slt.s32 @!p2 s0, $0x1  }
0x54: {  	p3 =	por p2, p3  }
.Ltmp3:
0x55: {  	_ = 	snop;
	(pc) =	sbr.rel @p3 .LBB2_9-.Ltmp3, $1  }
0x56: {  	_ =	sdelay $0x3  }
0x57: {  	s3 =	smulhi.u32 $0xAAAAAAAB, s2;
	_ =	sdelay $0x1  }
0x58: {  	s3 =	sshrl.u32 s3, $0x1  }
0x59: {  	s3 =	smul.u32 $0x3, s3;
	_ =	sdelay $0x1  }
0x5a: {  	s29 =	ssub.s32 s2, s3  }
0x5b: {  	s4 =	simm.s32 $0x1;
	s2 =	smul.u32 $0xC0, s29  }
.Ltmp4:
0x5c: {  	s4 =	simm.s32 @!p0 $0x0;
	(pc) =	sbr.rel .LBB2_6-.Ltmp4, $4  }
0x5d: {  	s30 =	smul.u32 $0x18000, s4  }
0x5e: {  	p3 =	slt.s32 @!p2 s0, $0x30;
	s2 =	sshrl.u32 s2, $0x2  }
0x5f: {  	p2 =	por !p3, p2;
	s3 =	sshrl.u32 s30, $0x2;
	s31 =	sadd.s32 $0x10848, s2  }
0x60: {  	s0 =	simm.s32 @p2 $0x30;
	s2 =	sor.u32 $0x10938, s3;
	s3 =	simm.s32 $0x0;
	v1 =	vmov s31  }
.LBB2_5:
0x61: {  	p2 =	sge.s32 s3, s0  }
.Ltmp5:
0x62: {  	_ = 	snop;
	(pc) =	sbr.rel @p2 .LBB2_9-.Ltmp5, $2  }
0x63: {  	_ =	sdelay $0x2  }
0x64: {  	s2 =	sadd.s32 $0x2000, s2  }
.LBB2_6:
0x65: {  	p2 =	sle.s32 s0, s3  }
.Ltmp6:
0x66: {  	_ = 	snop;
	(pc) =	sbr.rel @p2 .LBB2_5-.Ltmp6, $2  }
0x67: {  	_ =	sdelay $0x2  }
0x68: {  	s4 =	smov.u32 s3;
	s3 =	sadd.s32 $0x10, s3  }
0x69: {  	s5 =	ssub.s32 s0, s4  }
0x6a: {  	p2 =	slt.s32 s5, $0x10  }
0x6b: {  	s5 =	simm.s32 @!p2 $0x10  }
0x6c: {  	v2 =	vmov s5  }
0x6d: {  	vm0 =	vgt.s32 v2, v0;
	_ =	sdelay $0x5  }
0x6e: {  	v2 =	vld.idx.msk [tilespmem:v1+s4+$0x0 ss:$0x1], vm0;
	_ =	sdelay $0x2  }
0x6f: {  	p2 =	slt.s32 s3, s0;
	s5 =	smov.u32 s0  }
0x70: {  	s6 =	smov.u32 s2;
	s10 =	simm.s32 $0x0;
	s5 =	smov.u32 @p2 s3  }
.LBB2_8:
0x71: {  	(v2sf) =	vpush v2, s10;
	_ =	sdelay $0xe  }
0x72: {  	s10 =	sadd.s32 $0x1, s10;
	s11 =	spop (v2sf)  }
0x73: {  	s31 =	sadd.s32 s10, s4;
	s26 =	sshll.u32 s11, $0x9;
	s11 =	sshll.u32 s11, $0x7  }
0x74: {  	p2 =	slt.s32 s31, s5;
	s26 =	sand.u32 $0xFFFFF000, s26;
	s11 =	sand.u32 $0x380, s11  }
.Ltmp7:
0x75: {  	s11 =	sor.u32 s11, s26;
	(pc) =	sbr.rel @p2 .LBB2_8-.Ltmp7, $4  }
0x76: {  	s11 =	sshrl.u32 s11, $0x3  }
0x77: {  	s11 =	sadd.s32 s7, s11  }
0x78: {  	[tilespmem:s6], [sflag:$0x9] =	stream.strided.gather [hbm4b:s11+s19], $0x200, s20, s19, $0x38;
	[tilespmem:$0x1C938] =	vst v63  }
0x79: {  	s6 =	sadd.s32 $0x200, s6  }
.Ltmp8:
0x7a: {  	_ = 	snop;
	(pc) =	sbr.rel .LBB2_5-.Ltmp8, $1  }
0x7b: {  	_ =	sdelay $0x3  }
.LBB2_9:
0x7c: {  	p2 =	slt.u32 s24, $0x2  }
.Ltmp9:
0x7d: {  	_ = 	snop;
	(pc) =	sbr.rel @p2 .LBB2_36-.Ltmp9, $1  }
0x7e: {  	_ =	sdelay $0x3  }
0x7f: {  	p2 =	sgt.s32 s25, $0x7D0  }
0x80: {  	s0 =	smov.u32 s25;
	s2 =	sshra.s32 s25, $0x1F;
	s3 =	ssub.s32 $0x800, s25  }
0x81: {  	s0 =	simm.s32 @!p2 $0x7D0;
	s2 =	sand.u32 s2, s25;
	p2 =	slt.s32 s3, $0x30  }
0x82: {  	s0 =	ssub.s32 s0, s2;
	s3 =	simm.s32 @!p2 $0x30  }
0x83: {  	s0 =	sadd.s32 $0xFFFFF830, s0;
	s8 =	sshll.u32 s3, $0x9  }
0x84: {  	s26 =	simm.s32 $0x9;
	s10 =	sshll.u32 s0, $0x2;
	s2 =	sand.u32 $0x3FFFFE00, s8  }
0x85: {  	p2 =	sgt.s32 s0, $0x2F;
	s11 =	ssub.s32 $0xC0, s10;
	_ =	swait.ge [sflag:s26], s2  }
0x86: {  	s2 =	ssub.s32 $0x0, s2;
	[sflag:s26] =	ssyncset.done $0x0;
	s0 =	sshrl.u32 s11, $0x2  }
0x87: {  	s29 =	simm.s32 $0xB;
	[sflag:s26] =	ssyncadd.s32 s2;
	s0 =	simm.s32 @p2 $0x0  }
0x88: {  	_ =	swait.ge [sflag:s29], s0  }
0x89: {  	s0 =	ssub.s32 $0x0, s0;
	[sflag:s29] =	ssyncset.done $0x0  }
0x8a: {  	[sflag:s29] =	ssyncadd.s32 s0  }
0x8b: {  	v1 =	vld [tilespmem:$0xC808];
	_ =	sdelay $0x4  }
0x8c: {  	(v2sf) =	vpush v1, $0x0  }
0x8d: {  	(v2sf) =	vpush v1, $0x1  }
0x8e: {  	(v2sf) =	vpush v1, $0x2;
	_ =	sdelay $0x3  }
0x8f: {  	s0 =	sadd.s32 $0x30, s25  }
0x90: {  	s3 =	ssub.s32 $0x1000, s25;
	p2 =	slt.s32 s9, s0  }
0x91: {  	s0 =	smov.u32 @p2 s9;
	p2 =	sgt.s32 s3, $0x0  }
0x92: {  	s25 =	ssub.s32 s0, s25;
	s3 =	simm.s32 @!p2 $0x0  }
0x93: {  	p2 =	slt.s32 s3, s25  }
0x94: {  	s25 =	smov.u32 @p2 s3  }
0x95: {  	s2 =	simm.s32 $0x1;
	p2 =	slt.s32 s25, $0x1  }
.Ltmp10:
0x96: {  	s2 =	simm.s32 @!p1 $0x0;
	(pc) =	sbr.rel @p2 .LBB2_14-.Ltmp10, $4  }
0x97: {  	s31 =	smul.u32 $0xC0, s2  }
0x98: {  	s30 =	spop (v2sf)  }
0x99: {  	s0 =	sshrl.u32 s31, $0x2;
	s26 =	spop (v2sf)  }
0x9a: {  	s0 =	sadd.s32 $0x108D8, s0;
	s28 =	spop (v2sf)  }
0x9b: {  	s3 =	smin.u32 s25, $0x10  }
0x9c: {  	v1 =	vmov s3  }
0x9d: {  	vm1 =	vgt.u32 v1, v0  }
0x9e: {  	p3 =	sgt.s32 s25, $0x10  }
.Ltmp11:
0x9f: {  	_ = 	snop;
	(pc) =	sbr.rel @!p3 .LBB2_13-.Ltmp11, $2  }
0xa0: {  	_ =	sdelay $0x2  }
0xa1: {  	s4 =	simm.s32 $0x10;
	s5 =	sadd.s32 $0xFFFFFFF0, s25;
	s3 =	smov.u32 s0;
	vm0 =	vmmov vm1;
	v1 =	vld.msk [tilespmem:s0+$0x0 ss:$0x1], vm1  }
.LBB2_12:
0xa2: {  	s6 =	smin.u32 s5, $0x10;
	s4 =	sadd.s32 $0x10, s4  }
0xa3: {  	v2 =	vmov s6;
	p3 =	slt.s32 s4, s25  }
0xa4: {  	vm1 =	vgt.u32 v2, v0;
	_ =	sdelay $0x1  }
0xa5: {  	v2 =	vshll.u32 v1, $0x6;
	v1 =	vshll.u32 v1, $0x4  }
.Ltmp12:
0xa6: {  	v2 =	vand.u32 $0xFFFFFE00, v2;
	v1 =	vand.u32 $0x70, v1;
	(pc) =	sbr.rel @p3 .LBB2_12-.Ltmp12, $4  }
0xa7: {  	v1 =	vor.u32 v1, v2  }
0xa8: {  	[tilespmem:s3+$0x0] =	vst.msk vm0, v1;
	s3 =	sadd.s32 $0x10, s3;
	vm0 =	vmmov vm1  }
0xa9: {  	v1 =	vld.msk [tilespmem:s3+$0x0 ss:$0x1], vm1  }
0xaa: {  	s5 =	sadd.s32 $0xFFFFFFF0, s5  }
.LBB2_13:
0xab: {  	_ =	sdelay $0x3  }
0xac: {  	v2 =	vshll.u32 v1, $0x6;
	v1 =	vshll.u32 v1, $0x4  }
0xad: {  	v2 =	vand.u32 $0xFFFFFE00, v2;
	v1 =	vand.u32 $0x70, v1  }
0xae: {  	v1 =	vor.u32 v1, v2  }
0xaf: {  	[tilespmem:s3+$0x0] =	vst.msk vm0, v1  }
.LBB2_14:
0xb0: {  	p3 =	sne.s32 s26, $0xFFFFFFFF  }
.Ltmp13:
0xb1: {  	_ = 	snop;
	(pc) =	sbr.rel @p3 .LBB2_18-.Ltmp13, $3  }
0xb2: {  	s2 =	smul.u32 $0x18000, s2;
	_ =	sdelay $0x1  }
0xb3: {  	s3 =	sand.u32 $0x1, s24;
	s2 =	sshrl.u32 s2, $0x2  }
0xb4: {  	s3 =	smul.u32 $0x30, s3;
	s29 =	sor.u32 $0x10938, s2  }
0xb5: {  	v2 =	vld [tilespmem:s29+$0x0]  }
0xb6: {  	s2 =	simm.s32 $0x408;
	s4 =	simm.s32 $0x0;
	s5 =	smov.u32 s29;
	v1 =	vld.msk [tilespmem:s3+$0x108D8], $0x1  }
.LBB2_16:
0xb7: {  	s4 =	sadd.s32 $0x10, s4  }
0xb8: {  	p3 =	slt.u32 s4, $0x1F0  }
.Ltmp14:
0xb9: {  	_ = 	snop;
	(pc) =	sbr.rel @p3 .LBB2_16-.Ltmp14, $3  }
0xba: {  	_ =	sdelay $0x1  }
0xbb: {  	s5 =	sadd.s32 $0x10, s5;
	[tilespmem:s2+$0x0] =	vst v2;
	s2 =	sadd.s32 $0x10, s2  }
0xbc: {  	v2 =	vld [tilespmem:s5+$0x0]  }
0xbd: {  	(v2sf) =	vpush v1, $0x0;
	_ =	sdelay $0xe  }
0xbe: {  	s30 =	spop (v2sf)  }
0xbf: {  	s28 =	simm.s32 $0x0;
	[tilespmem:s2+$0x0] =	vst v2;
	s26 =	smov.u32 s30  }
.LBB2_18:
.Ltmp15:
0xc0: {  	(pc) =	sbr.rel @p2 .LBB2_34-.Ltmp15, $2  }
0xc1: {  	_ =	sdelay $0x2  }
0xc2: {  	[sflag:s21] =	ssyncpa.u1 $0x0  }
0xc3: {  	v1 =	vld.msk [tilespmem:s0+$0x0], $0x1;
	_ =	sdelay $0x4  }
0xc4: {  	(v2sf) =	vpush v1, $0x0;
	_ =	sdelay $0xe  }
0xc5: {  	s2 =	spop (v2sf)  }
0xc6: {  	s14 =	smov.u32 s9;
	s9 =	smov.u32 s12;
	p2 =	seq.s32 s30, s2  }
0xc7: {  	s4 =	sadd.s32 $0x108D8, s3;
	s21 =	ssub.s32 $0x0, s25;
	p3 =	sgt.s32 @!p2 s30, $0x0  }
0xc8: {  	s6 =	smov.u32 s30;
	s31 =	simm.s32 $0x0;
	p3 =	por !p3, p2  }
0xc9: {  	s0 =	sadd.s32 $0x1, s0;
	s5 =	sadd.s32 $0x1, s21;
	s6 =	simm.s32 @p3 $0x0  }
0xca: {  	s3 =	simm.s32 @!p2 $0x1;
	s10 =	simm.s32 @!p2 $0x6608;
	s11 =	smin.u32 @!p2 s6, $0x1E70  }
0xcb: {  	p3 =	seq.s32 s5, $0x0;
	s6 =	sand.u32 @!p2 $0x1FF8, s11;
	s12 =	sadd.s32 @!p2 $0x80, s11  }
0xcc: {  	s15 =	sadd.s32 @!p2 $0x100, s11;
	s16 =	sadd.s32 @!p2 s1, s6;
	s6 =	sand.u32 @!p2 $0x7, s11  }
0xcd: {  	s12 =	sand.u32 @!p2 $0x3FF8, s12;
	s15 =	sand.u32 @!p2 $0x3FF8, s15;
	s11 =	sadd.s32 @!p2 $0x180, s11  }
0xce: {  	[tilespmem:s10], [sflag:$0x2] =	stream.linear.gather @!p2 [hbm4b:s16+s6], $0x80, $0x38;
	[tilespmem:$0x1C938] =	vst v63  }
.Ltmp16:
0xcf: {  	s10 =	simm.s32 @!p2 $0x6688;
	s12 =	sadd.s32 @!p2 s1, s12;
	(pc) =	sbr.rel @p3 .LBB2_21-.Ltmp16, $4  }
0xd0: {  	[tilespmem:s10], [sflag:$0x2] =	stream.linear.gather @!p2 [hbm4b:s12+s6], $0x80, $0x38;
	[tilespmem:$0x1C938] =	vst v63  }
0xd1: {  	s11 =	sand.u32 @!p2 $0x3FF8, s11;
	s10 =	simm.s32 @!p2 $0x6708;
	s12 =	sadd.s32 @!p2 s1, s15  }
0xd2: {  	[tilespmem:s10], [sflag:$0x2] =	stream.linear.gather @!p2 [hbm4b:s12+s6], $0x80, $0x38;
	[tilespmem:$0x1C938] =	vst v63  }
0xd3: {  	s3 =	smov.u32 @p2 s31;
	s11 =	sadd.s32 @!p2 s1, s11;
	s10 =	simm.s32 @!p2 $0x6788  }
.LBB2_20:
0xd4: {  	s12 =	smov.u32 s3  }
0xd5: {  	[tilespmem:s10], [sflag:$0x2] =	stream.linear.gather @!p2 [hbm4b:s11+s6], $0x80, $0x38;
	[tilespmem:$0x1C938] =	vst v63  }
0xd6: {  	s5 =	sadd.s32 $0x1, s5;
	s6 =	smov.u32 s2  }
0xd7: {  	p3 =	seq.s32 s5, $0x0;
	v1 =	vld.msk [tilespmem:s0+$0x0], $0x1;
	_ =	sdelay $0x4  }
0xd8: {  	(v2sf) =	vpush v1, $0x0;
	_ =	sdelay $0xe  }
0xd9: {  	s2 =	spop (v2sf)  }
0xda: {  	p2 =	seq.s32 s6, s2  }
0xdb: {  	p4 =	sgt.s32 @!p2 s6, $0x0  }
0xdc: {  	s10 =	sshll.u32 @!p2 s3, $0xB;
	s3 =	sadd.s32 @!p2 $0x1, s3;
	p4 =	por !p4, p2  }
0xdd: {  	s10 =	sshra.s32 @!p2 s10, $0x2;
	s3 =	smov.u32 @p2 s12;
	s6 =	simm.s32 @p4 $0x0  }
0xde: {  	s11 =	sadd.s32 @!p2 $0x6608, s10;
	s12 =	sadd.s32 @!p2 $0x6688, s10;
	s15 =	smin.u32 @!p2 s6, $0x1E70  }
0xdf: {  	s16 =	sadd.s32 @!p2 $0x6708, s10;
	s10 =	sadd.s32 @!p2 $0x6788, s10;
	s6 =	sand.u32 @!p2 $0x1FF8, s15  }
0xe0: {  	s18 =	sadd.s32 @!p2 $0x80, s15;
	s8 =	sadd.s32 @!p2 $0x100, s15;
	s21 =	sadd.s32 @!p2 s1, s6  }
0xe1: {  	s6 =	sand.u32 @!p2 $0x7, s15;
	s18 =	sand.u32 @!p2 $0x3FF8, s18;
	s8 =	sand.u32 @!p2 $0x3FF8, s8  }
0xe2: {  	[tilespmem:s11], [sflag:$0x2] =	stream.linear.gather @!p2 [hbm4b:s21+s6], $0x80, $0x38;
	[tilespmem:$0x1C938] =	vst v63  }
.Ltmp17:
0xe3: {  	s15 =	sadd.s32 @!p2 $0x180, s15;
	s11 =	sadd.s32 @!p2 s1, s18;
	(pc) =	sbr.rel @!p3 .LBB2_20-.Ltmp17, $4  }
0xe4: {  	[tilespmem:s12], [sflag:$0x2] =	stream.linear.gather @!p2 [hbm4b:s11+s6], $0x80, $0x38;
	[tilespmem:$0x1C938] =	vst v63  }
0xe5: {  	s8 =	sadd.s32 @!p2 s1, s8;
	s11 =	sand.u32 @!p2 $0x3FF8, s15  }
0xe6: {  	[tilespmem:s16], [sflag:$0x2] =	stream.linear.gather @!p2 [hbm4b:s8+s6], $0x80, $0x38;
	[tilespmem:$0x1C938] =	vst v63  }
0xe7: {  	s0 =	sadd.s32 $0x1, s0;
	s11 =	sadd.s32 @!p2 s1, s11  }
.LBB2_21:
0xe8: {  	[tilespmem:s10], [sflag:$0x2] =	stream.linear.gather @!p2 [hbm4b:s11+s6], $0x80, $0x38;
	[tilespmem:$0x1C938] =	vst v63  }
0xe9: {  	s0 =	sshll.u32 s3, $0x9  }
0xea: {  	s2 =	simm.s32 $0x2;
	s0 =	sand.u32 $0x3FFFFE00, s0  }
.Ltmp18:
0xeb: {  	_ =	swait.ge [sflag:s2], s0;
	(pc) =	sbr.rel .LBB2_22-.Ltmp18, $4  }
0xec: {  	s12 =	smov.u32 s9;
	s9 =	smov.u32 s14;
	s14 =	rddreg [dreg:$0x7]  }
0xed: {  	v1 =	vmov s4;
	s4 =	simm.s32 $0x0;
	s5 =	simm.s32 $0x0;
	s15 =	rddreg [dreg:$0x8]  }
0xee: {  	s0 =	ssub.s32 $0x0, s0;
	[sflag:s2] =	ssyncset.done $0x0;
	s16 =	rddreg [dreg:$0x9]  }
0xef: {  	s21 =	simm.s32 $0xC;
	s18 =	rddreg [dreg:$0xa];
	[sflag:s2] =	ssyncadd.s32 s0  }
.LBB2_31:
0xf0: {  	[tilespmem:s2+$0x0] =	vst v2;
	s31 =	sadd.s32 $0x1, s31  }
.LBB2_32:
0xf1: {  	s5 =	sadd.s32 $0x1, s5  }
0xf2: {  	p2 =	sne.s32 s5, s25  }
.Ltmp19:
0xf3: {  	_ = 	snop;
	(pc) =	sbr.rel @!p2 .LBB2_33-.Ltmp19, $2  }
0xf4: {  	_ =	sdelay $0x2  }
0xf5: {  	s29 =	sadd.s32 $0x200, s29;
	s30 =	smov.u32 s0  }
.LBB2_22:
0xf6: {  	_ =	sdelay $0x3  }
0xf7: {  	v2 =	vld.idx.msk [tilespmem:v1+s5+$0x0 ss:$0x1], $0x1;
	_ =	sdelay $0x4  }
0xf8: {  	(v2sf) =	vpush v2, $0x0;
	_ =	sdelay $0xe  }
0xf9: {  	s0 =	spop (v2sf)  }
0xfa: {  	p2 =	sne.s32 s30, s0  }
.Ltmp20:
0xfb: {  	_ = 	snop;
	(pc) =	sbr.rel @p2 .LBB2_25-.Ltmp20, $3  }
0xfc: {  	_ =	sdelay $0x1  }
0xfd: {  	s2 =	sshll.u32 s28, $0xB  }
0xfe: {  	s2 =	sshra.s32 s2, $0x2  }
0xff: {  	s3 =	sadd.s32 $0x408, s2;
	v3 =	vld [tilespmem:s29+$0x0]  }
0x100: {  	v2 =	vld [tilespmem:s3+$0x0];
	_ =	sdelay $0x4  }
0x101: {  	v2 =	vmax.f32 v3, v2  }
0x102: {  	s2 =	simm.s32 $0x0;
	s6 =	smov.u32 s29;
	[tilespmem:s3+$0x0] =	vst v2;
	s3 =	sadd.s32 $0x10, s3  }
.LBB2_24:
0x103: {  	v2 =	vld [tilespmem:s3+$0x0];
	s6 =	sadd.s32 $0x10, s6  }
0x104: {  	s2 =	sadd.s32 $0x10, s2;
	v3 =	vld [tilespmem:s6+$0x0]  }
0x105: {  	p2 =	slt.u32 s2, $0x1F0  }
.Ltmp21:
0x106: {  	(pc) =	sbr.rel @p2 .LBB2_24-.Ltmp21, $3  }
0x107: {  	_ =	sdelay $0x1  }
0x108: {  	v2 =	vmax.f32 v3, v2  }
0x109: {  	[tilespmem:s3+$0x0] =	vst v2;
	s3 =	sadd.s32 $0x10, s3  }
.Ltmp22:
0x10a: {  	_ = 	snop;
	(pc) =	sbr.rel .LBB2_32-.Ltmp22, $1  }
0x10b: {  	_ =	sdelay $0x3  }
.LBB2_25:
0x10c: {  	p2 =	seq.s32 s30, s26  }
.Ltmp23:
0x10d: {  	_ = 	snop;
	(pc) =	sbr.rel @!p2 .LBB2_26-.Ltmp23, $1  }
0x10e: {  	_ =	sdelay $0x3  }
.Ltmp24:
0x10f: {  	s2 =	sadd.s32 $0x408, s2;
	(pc) =	sbr.rel .LBB2_29-.Ltmp24, $4  }
0x110: {  	[spmem:s17] =	stream.linear.scatter [tilespmem:s2], [sflag:$0x1], $0x200, $0x38;
	[tilespmem:$0x1C938] =	vst v63  }
0x111: {  	_ =	swait.ge [sflag:s13], $0x200  }
0x112: {  	[sflag:s13] =	ssyncset.done $0x0  }
0x113: {  	[sflag:s13] =	ssyncadd.s32 $0xFFFFFE00  }
.LBB2_26:
0x114: {  	s3 =	sshll.u32 s31, $0xB  }
0x115: {  	s3 =	sshra.s32 s3, $0x2  }
0x116: {  	s6 =	sadd.s32 $0x6608, s3;
	s3 =	sadd.s32 $0x408, s2  }
0x117: {  	v2 =	vld [tilespmem:s3+$0x0]  }
0x118: {  	v3 =	vld [tilespmem:s6+$0x0];
	_ =	sdelay $0x4  }
0x119: {  	v2 =	vmax.f32 v3, v2  }
0x11a: {  	s10 =	simm.s32 $0x0;
	s11 =	sadd.s32 $0x10, s3;
	[tilespmem:s3+$0x0] =	vst v2  }
.LBB2_27:
0x11b: {  	v2 =	vld [tilespmem:s11+$0x0];
	s6 =	sadd.s32 $0x10, s6  }
0x11c: {  	s10 =	sadd.s32 $0x10, s10;
	v3 =	vld [tilespmem:s6+$0x0]  }
0x11d: {  	p2 =	slt.u32 s10, $0x1F0  }
.Ltmp25:
0x11e: {  	(pc) =	sbr.rel @p2 .LBB2_27-.Ltmp25, $3  }
0x11f: {  	_ =	sdelay $0x1  }
0x120: {  	v2 =	vmax.f32 v3, v2  }
0x121: {  	[tilespmem:s11+$0x0] =	vst v2;
	s11 =	sadd.s32 $0x10, s11  }
0x122: {  	p2 =	sgt.u32 s30, $0x1E70  }
0x123: {  	s6 =	sand.u32 @!p2 $0x1FF8, s30  }
0x124: {  	s8 =	sand.u32 @!p2 $0x7, s30;
	s6 =	sadd.s32 @!p2 s1, s6  }
0x125: {  	[hbm4b:s6+s8] =	stream.linear.scatter @!p2 [tilespmem:s3], [sflag:$0xC], $0x80, $0x38;
	[tilespmem:$0x1C938] =	vst v63  }
0x126: {  	s3 =	sadd.s32 @!p2 $0x80, s30  }
0x127: {  	s3 =	sand.u32 @!p2 $0x3FF8, s3  }
0x128: {  	s6 =	sadd.s32 @!p2 $0x488, s2;
	s3 =	sadd.s32 @!p2 s1, s3  }
0x129: {  	[hbm4b:s3+s8] =	stream.linear.scatter @!p2 [tilespmem:s6], [sflag:$0xC], $0x80, $0x38;
	[tilespmem:$0x1C938] =	vst v63  }
0x12a: {  	s3 =	sadd.s32 @!p2 $0x100, s30  }
0x12b: {  	s3 =	sand.u32 @!p2 $0x3FF8, s3  }
0x12c: {  	s6 =	sadd.s32 @!p2 $0x508, s2;
	s3 =	sadd.s32 @!p2 s1, s3  }
0x12d: {  	[hbm4b:s3+s8] =	stream.linear.scatter @!p2 [tilespmem:s6], [sflag:$0xC], $0x80, $0x38;
	[tilespmem:$0x1C938] =	vst v63  }
0x12e: {  	s3 =	sadd.s32 @!p2 $0x180, s30;
	s6 =	simm.s32 $0x0  }
0x12f: {  	s3 =	sand.u32 @!p2 $0x3FF8, s3;
	s6 =	simm.s32 @!p2 $0x800  }
0x130: {  	s2 =	sadd.s32 @!p2 $0x588, s2;
	s3 =	sadd.s32 @!p2 s1, s3;
	s4 =	sadd.s32 s6, s4  }
0x131: {  	[hbm4b:s3+s8] =	stream.linear.scatter @!p2 [tilespmem:s2], [sflag:$0xC], $0x80, $0x38;
	[tilespmem:$0x1C938] =	vst v63  }
.LBB2_29:
0x132: {  	s2 =	sadd.s32 $0x1, s28  }
0x133: {  	s3 =	smulhi.u32 $0xAAAAAAAB, s2;
	_ =	sdelay $0x1  }
0x134: {  	s3 =	sshrl.u32 s3, $0x5  }
0x135: {  	s3 =	smul.u32 $0x30, s3;
	_ =	sdelay $0x1  }
0x136: {  	s28 =	ssub.s32 s2, s3  }
0x137: {  	s2 =	sshll.u32 s28, $0x9  }
0x138: {  	v2 =	vld [tilespmem:s29+$0x0];
	s6 =	smov.u32 s29;
	s3 =	simm.s32 $0x0;
	s2 =	sadd.s32 $0x408, s2  }
.LBB2_30:
0x139: {  	s3 =	sadd.s32 $0x10, s3  }
0x13a: {  	p2 =	slt.u32 s3, $0x1F0  }
.Ltmp26:
0x13b: {  	_ = 	snop;
	(pc) =	sbr.rel @p2 .LBB2_30-.Ltmp26, $3  }
0x13c: {  	_ =	sdelay $0x1  }
0x13d: {  	[tilespmem:s2+$0x0] =	vst v2;
	s2 =	sadd.s32 $0x10, s2;
	s6 =	sadd.s32 $0x10, s6  }
0x13e: {  	v2 =	vld [tilespmem:s6+$0x0]  }
.Ltmp27:
0x13f: {  	_ = 	snop;
	(pc) =	sbr.rel .LBB2_31-.Ltmp27, $1  }
0x140: {  	_ =	sdelay $0x3  }
.LBB2_34:
.Ltmp28:
0x141: {  	(pc) =	sbr.rel .LBB2_35-.Ltmp28, $4  }
0x142: {  	_ = 	snop  }
0x143: {  	s0 =	simm.s32 $0x2  }
0x144: {  	_ =	swait.ge [sflag:s0], $0x0  }
0x145: {  	s2 =	simm.s32 $0x0;
	[sflag:s0] =	ssyncset.done $0x0;
	s0 =	smov.u32 s30  }
.LBB2_37:
0x146: {  	_ =	sfence.sel $0x180000  }
0x147: {  	s0 =	simm.s32 $0x9;
	[bflag:$0x0] =	sbarrier.arrive $0xFFFF  }
0x148: {  	s24 =	simm.s32 $0xA;
	[sflag:s0] =	ssyncpa.u1 $0x1  }
0x149: {  	s25 =	simm.s32 $0xB;
	[sflag:s24] =	ssyncpa.u1 $0x1  }
0x14a: {  	s26 =	simm.s32 $0x2;
	[sflag:s25] =	ssyncpa.u1 $0x1  }
0x14b: {  	[sflag:s26] =	ssyncpa.u1 $0x1  }
0x14c: {  	v0 =	vld [tilespmem:$0xC808];
	_ =	sdelay $0x4  }
0x14d: {  	(v2sf) =	vpush v0, $0x0  }
0x14e: {  	(v2sf) =	vpush v0, $0x1;
	_ =	sdelay $0x2  }
0x14f: {  	(v2sf) =	vpush v0, $0x2;
	_ =	sdelay $0xa  }
0x150: {  	s0 =	spop (v2sf)  }
0x151: {  	s2 =	spop (v2sf)  }
0x152: {  	s3 =	smov.u32 s0;
	p0 =	sne.s32 s0, s2  }
0x153: {  	s3 =	simm.s32 @!p0 $0xFFFFFFFF  }
0x154: {  	v2 =	vimm.s32 $0x1;
	v3 =	vlaneseq.u32;
	v1 =	vmov s3;
	s3 =	spop (v2sf)  }
0x155: {  	v0 =	vperm.xlane v0, v2;
	v1 =	vperm.xlane v1, v3;
	p0 =	seq.s32 s3, $0xFFFFFFFF  }
0x156: {  	vm0 =	vcmask $0x3F04;
	s5 =	simm.s32 $0xC808;
	p1 =	sne.s32 @!p0 s0, s2  }
0x157: {  	s6 =	rddreg [dreg:$0x6];
	s0 =	simm.s32 @!p0 $0x1;
	v0 =	vsel vm0, v1, v0;
	p1 =	por !p1, p0  }
0x158: {  	s4 =	sor.u32 $0x4000, s6;
	s2 =	sshll.u32 @!p0 s3, $0xB;
	[tilespmem:$0xC808] =	vst v0;
	s0 =	simm.s32 @p1 $0x0  }
0x159: {  	[spmem:s4] =	stream.linear.scatter [tilespmem:s5], [sflag:$0x1], $0x2, $0x38;
	[tilespmem:$0x1C938] =	vst v63  }
0x15a: {  	s2 =	sshra.s32 @!p0 s2, $0x2;
	s0 =	sor.u32 @!p0 s0, s6  }
0x15b: {  	s2 =	sadd.s32 @!p0 $0x408, s2;
	s0 =	sshll.u32 @!p0 s0, $0x9  }
0x15c: {  	[spmem:s0] =	stream.linear.scatter @!p0 [tilespmem:s2], [sflag:$0x1], $0x200, $0x38;
	[tilespmem:$0x1C938] =	vst v63  }
0x15d: {  	s0 =	simm.s32 @!p0 $0x202  }
0x15e: {  	s28 =	simm.s32 $0x1;
	s0 =	simm.s32 @p0 $0x2  }
0x15f: {  	_ =	swait.ge [sflag:s28], s0  }
0x160: {  	s17 =	stileid.u32;
	s0 =	ssub.s32 $0x0, s0;
	[sflag:s28] =	ssyncset.done $0x0  }
0x161: {  	p0 =	sne.s32 s17, $0x0;
	[sflag:s28] =	ssyncadd.s32 s0  }
.Ltmp29:
0x162: {  	_ =	sfence.stream.spmem;
	(pc) =	sbr.rel @p0 .LBB2_60-.Ltmp29, $4  }
0x163: {  	s29 =	simm.s32 $0x3;
	[bflag:$0x0] =	sbarrier.arrive $0xFFFF  }
0x164: {  	s30 =	simm.s32 $0x4;
	[sflag:s29] =	ssyncpa.u1 $0x1  }
0x165: {  	s31 =	simm.s32 $0x3C;
	[sflag:s30] =	ssyncpa.u1 $0x1  }
0x166: {  	s16 =	rddreg [dreg:$0x5];
	[sflag:s31] =	ssyncpa.u1 $0x1  }
0x167: {  	_ =	sfence.stream.spmem;
	s0 =	simm.s32 $0x5  }
0x168: {  	s2 =	simm.s32 $0x4000;
	s3 =	simm.s32 $0xC818;
	[sflag:s0] =	ssyncpa.u1 $0x0  }
0x169: {  	[tilespmem:s3], [sflag:$0x5] =	stream.linear.gather [spmem:s2], $0x20, $0x38;
	[tilespmem:$0x1C938] =	vst v63  }
0x16a: {  	s26 =	simm.s32 $0x0;
	s28 =	simm.s32 $0xC838  }
0x16b: {  	[tilespmem:s28], [sflag:$0x5] =	stream.linear.gather [spmem:s26], $0x4000, $0x38;
	[tilespmem:$0x1C938] =	vst v63  }
0x16c: {  	_ =	swait.ge [sflag:s0], $0x4020  }
0x16d: {  	[sflag:s0] =	ssyncset.done $0x0  }
0x16e: {  	s29 =	simm.s32 $0x0;
	[sflag:s0] =	ssyncadd.s32 $0xFFFFBFE0  }
0x16f: {  	v0 =	vld.msk [tilespmem:s29+$0xC818], $0x1;
	_ =	sdelay $0x1  }
0x170: {  	s30 =	simm.s32 $0x1  }
0x171: {  	v1 =	vld.msk [tilespmem:s30+$0xC818], $0x1;
	_ =	sdelay $0x1  }
0x172: {  	(v2sf) =	vpush v0, $0x0;
	_ =	sdelay $0x2  }
0x173: {  	(v2sf) =	vpush v1, $0x0;
	_ =	sdelay $0x2  }
0x174: {  	s31 =	simm.s32 $0x2  }
0x175: {  	v0 =	vld.msk [tilespmem:s31+$0xC818], $0x1;
	_ =	sdelay $0x2  }
0x176: {  	s2 =	simm.s32 $0xFFFFFFFF;
	s3 =	simm.s32 $0xFFFFFFFF;
	s0 =	simm.s32 $0xC  }
.LBB2_39:
0x177: {  	s4 =	smov.u32 s3;
	s5 =	smov.u32 s2  }
0x178: {  	s2 =	sshra.s32 s0, $0x2;
	p1 =	sne.s32 s0, $0x7C;
	s0 =	sadd.s32 $0x4, s0;
	(v2sf) =	vpush v0, $0x0  }
0x179: {  	v0 =	vld.msk [tilespmem:s2+$0xC818], $0x1  }
.Ltmp30:
0x17a: {  	(pc) =	sbr.rel @p1 .LBB2_39-.Ltmp30, $4  }
0x17b: {  	s3 =	spop (v2sf)  }
0x17c: {  	p2 =	sne.s32 s5, $0xFFFFFFFF;
	s2 =	smov.u32 s3  }
0x17d: {  	p3 =	seq.s32 s3, $0xFFFFFFFF;
	s2 =	smov.u32 @p2 s5  }
0x17e: {  	s3 =	smov.u32 @p3 s4;
	s2 =	smov.u32 @p3 s5  }
0x17f: {  	(v2sf) =	vpush v0, $0x0;
	_ =	sdelay $0x8  }
0x180: {  	s0 =	spop (v2sf);
	p1 =	sne.s32 s2, $0xFFFFFFFF;
	s9 =	simm.s32 $0x6  }
0x181: {  	s6 =	simm.s32 $0x0;
	s10 =	simm.s32 $0xC838;
	s4 =	smov.u32 s0  }
0x182: {  	s11 =	simm.s32 $0xC688;
	p2 =	seq.s32 s0, $0xFFFFFFFF;
	s4 =	smov.u32 @p1 s2  }
0x183: {  	s12 =	simm.s32 $0xC708;
	s4 =	smov.u32 @p2 s2;
	s2 =	spop (v2sf)  }
0x184: {  	s0 =	smov.u32 @p2 s3;
	p1 =	sne.s32 s4, $0xFFFFFFFF;
	s5 =	smov.u32 s2  }
.Ltmp31:
0x185: {  	p2 =	seq.s32 s2, $0xFFFFFFFF;
	s5 =	smov.u32 @p1 s4;
	(pc) =	sbr.rel .LBB2_41-.Ltmp31, $4  }
0x186: {  	s13 =	simm.s32 $0xC788;
	s5 =	smov.u32 @p2 s4;
	s7 =	spop (v2sf)  }
0x187: {  	s14 =	simm.s32 $0x0;
	p1 =	sne.s32 s5, $0xFFFFFFFF;
	s8 =	smov.u32 s7  }
0x188: {  	s2 =	smov.u32 @p2 s0;
	p2 =	seq.s32 s7, $0xFFFFFFFF;
	s8 =	smov.u32 @p1 s5  }
0x189: {  	[sflag:s9] =	ssyncpa.u1 $0x0;
	s7 =	smov.u32 @p2 s2;
	s8 =	smov.u32 @p2 s5  }
.LBB2_54:
0x18a: {  	s14 =	sadd.s32 $0x1, s14  }
0x18b: {  	p1 =	sne.s32 s14, $0x20  }
.Ltmp32:
0x18c: {  	_ = 	snop;
	(pc) =	sbr.rel @!p1 .LBB2_55-.Ltmp32, $2  }
0x18d: {  	_ =	sdelay $0x2  }
0x18e: {  	s10 =	sadd.s32 $0x200, s10  }
.LBB2_41:
0x18f: {  	v0 =	vld.msk [tilespmem:s14+$0xC818], $0x1;
	_ =	sdelay $0x4  }
0x190: {  	(v2sf) =	vpush v0, $0x0;
	_ =	sdelay $0xe  }
0x191: {  	s0 =	spop (v2sf)  }
0x192: {  	p1 =	seq.s32 s0, $0xFFFFFFFF  }
.Ltmp33:
0x193: {  	_ = 	snop;
	(pc) =	sbr.rel @p1 .LBB2_54-.Ltmp33, $1  }
0x194: {  	_ =	sdelay $0x3  }
0x195: {  	p1 =	slt.s32 s6, $0x1  }
.Ltmp34:
0x196: {  	_ = 	snop;
	(pc) =	sbr.rel @p1 .LBB2_48-.Ltmp34, $1  }
0x197: {  	_ =	sdelay $0x3  }
0x198: {  	s2 =	simm.s32 $0xC818;
	p1 =	por $0x0, $0x0  }
0x199: {  	v1 =	vld.msk @!p1 [tilespmem:s2+$0x0], $0x1;
	_ =	sdelay $0x4  }
0x19a: {  	(v2sf) =	vpush @!p1 v1, $0x0;
	_ =	sdelay $0xd  }
0x19b: {  	p3 =	sne.s32 s6, $0x1  }
.Ltmp35:
0x19c: {  	s3 =	spop @!p1 (v2sf);
	(pc) =	sbr.rel @!p3 .LBB2_45-.Ltmp35, $4  }
0x19d: {  	p2 =	seq.s32 @!p1 s0, s3  }
0x19e: {  	s3 =	simm.s32 $0x0;
	p2 =	por !p2, p1  }
0x19f: {  	s5 =	simm.s32 $0xFFFFFFFF;
	s3 =	simm.s32 @p2 $0xFFFFFFFF  }
0x1a0: {  	s4 =	simm.s32 $0x1;
	s3 =	smov.u32 @p1 s5  }
.LBB2_44:
0x1a1: {  	s5 =	smov.u32 s3;
	p1 =	sne.s32 s3, $0xFFFFFFFF  }
0x1a2: {  	s2 =	sadd.s32 $0x1, s2;
	s3 =	smov.u32 s4;
	s4 =	sadd.s32 $0x1, s4  }
0x1a3: {  	p2 =	sne.s32 s6, s4;
	v1 =	vld.msk @!p1 [tilespmem:s2+$0x0], $0x1;
	_ =	sdelay $0x4  }
0x1a4: {  	(v2sf) =	vpush @!p1 v1, $0x0;
	_ =	sdelay $0xe  }
.Ltmp36:
0x1a5: {  	s15 =	spop @!p1 (v2sf);
	(pc) =	sbr.rel @p2 .LBB2_44-.Ltmp36, $4  }
0x1a6: {  	p3 =	seq.s32 @!p1 s0, s15  }
0x1a7: {  	p3 =	por !p3, p1  }
0x1a8: {  	s3 =	simm.s32 @p3 $0xFFFFFFFF  }
0x1a9: {  	s3 =	smov.u32 @p1 s5  }
.LBB2_45:
0x1aa: {  	p1 =	seq.s32 s3, $0xFFFFFFFF  }
.Ltmp37:
0x1ab: {  	_ = 	snop;
	(pc) =	sbr.rel @p1 .LBB2_48-.Ltmp37, $1  }
0x1ac: {  	_ =	sdelay $0x3  }
0x1ad: {  	s0 =	sshll.u32 s3, $0xB  }
0x1ae: {  	s0 =	sshra.s32 s0, $0x2  }
0x1af: {  	v1 =	vld [tilespmem:s10+$0x0];
	s2 =	sadd.s32 $0xC838, s0  }
0x1b0: {  	v0 =	vld [tilespmem:s2+$0x0];
	_ =	sdelay $0x4  }
0x1b1: {  	v0 =	vmax.f32 v1, v0  }
0x1b2: {  	s3 =	smov.u32 s10;
	s0 =	simm.s32 $0x0;
	[tilespmem:s2+$0x0] =	vst v0;
	s2 =	sadd.s32 $0x10, s2  }
.LBB2_47:
0x1b3: {  	v0 =	vld [tilespmem:s2+$0x0];
	s3 =	sadd.s32 $0x10, s3  }
0x1b4: {  	s0 =	sadd.s32 $0x10, s0;
	v1 =	vld [tilespmem:s3+$0x0]  }
0x1b5: {  	p1 =	slt.u32 s0, $0x1F0  }
.Ltmp38:
0x1b6: {  	(pc) =	sbr.rel @p1 .LBB2_47-.Ltmp38, $3  }
0x1b7: {  	_ =	sdelay $0x1  }
0x1b8: {  	v0 =	vmax.f32 v1, v0  }
0x1b9: {  	[tilespmem:s2+$0x0] =	vst v0;
	s2 =	sadd.s32 $0x10, s2  }
.Ltmp39:
0x1ba: {  	_ = 	snop;
	(pc) =	sbr.rel .LBB2_54-.Ltmp39, $1  }
0x1bb: {  	_ =	sdelay $0x3  }
.LBB2_48:
0x1bc: {  	p1 =	sgt.u32 s0, $0x1E70  }
0x1bd: {  	p2 =	seq.s32 @!p1 s0, s8  }
0x1be: {  	p1 =	por p1, p2  }
0x1bf: {  	p2 =	seq.s32 @!p1 s0, s7  }
0x1c0: {  	p1 =	por p1, p2  }
.Ltmp40:
0x1c1: {  	_ = 	snop;
	(pc) =	sbr.rel @p1 .LBB2_51-.Ltmp40, $1  }
0x1c2: {  	_ =	sdelay $0x3  }
0x1c3: {  	s2 =	sand.u32 $0x1FF8, s0;
	s4 =	sand.u32 $0x7, s0  }
0x1c4: {  	s29 =	sadd.s32 $0x80, s0;
	s3 =	sadd.s32 s1, s2;
	s2 =	simm.s32 $0xC608  }
0x1c5: {  	[tilespmem:s2], [sflag:$0x6] =	stream.linear.gather [hbm4b:s3+s4], $0x80, $0x38;
	[tilespmem:$0x1C938] =	vst v63  }
0x1c6: {  	s3 =	sand.u32 $0x3FF8, s29  }
0x1c7: {  	s30 =	sadd.s32 $0x100, s0;
	s3 =	sadd.s32 s1, s3  }
0x1c8: {  	[tilespmem:s11], [sflag:$0x6] =	stream.linear.gather [hbm4b:s3+s4], $0x80, $0x38;
	[tilespmem:$0x1C938] =	vst v63  }
0x1c9: {  	s31 =	sadd.s32 $0x180, s0;
	s3 =	sand.u32 $0x3FF8, s30  }
0x1ca: {  	s0 =	sand.u32 $0x3FF8, s31;
	s3 =	sadd.s32 s1, s3  }
0x1cb: {  	[tilespmem:s12], [sflag:$0x6] =	stream.linear.gather [hbm4b:s3+s4], $0x80, $0x38;
	[tilespmem:$0x1C938] =	vst v63  }
0x1cc: {  	s0 =	sadd.s32 s1, s0  }
0x1cd: {  	[tilespmem:s13], [sflag:$0x6] =	stream.linear.gather [hbm4b:s0+s4], $0x80, $0x38;
	[tilespmem:$0x1C938] =	vst v63  }
0x1ce: {  	_ =	swait.ge [sflag:s9], $0x200  }
0x1cf: {  	[sflag:s9] =	ssyncset.done $0x0  }
0x1d0: {  	[sflag:s9] =	ssyncadd.s32 $0xFFFFFE00  }
0x1d1: {  	v1 =	vld [tilespmem:s10+$0x0]  }
0x1d2: {  	v2 =	vld [tilespmem:s2+$0x0];
	_ =	sdelay $0x4  }
0x1d3: {  	v1 =	vmax.f32 v2, v1  }
0x1d4: {  	s3 =	sadd.s32 $0x10, s10;
	s0 =	simm.s32 $0x0;
	[tilespmem:s10+$0x0] =	vst v1  }
.LBB2_50:
0x1d5: {  	v1 =	vld [tilespmem:s3+$0x0];
	s2 =	sadd.s32 $0x10, s2  }
0x1d6: {  	s0 =	sadd.s32 $0x10, s0;
	v2 =	vld [tilespmem:s2+$0x0]  }
0x1d7: {  	p1 =	slt.u32 s0, $0x1F0  }
.Ltmp41:
0x1d8: {  	(pc) =	sbr.rel @p1 .LBB2_50-.Ltmp41, $3  }
0x1d9: {  	_ =	sdelay $0x1  }
0x1da: {  	v1 =	vmax.f32 v2, v1  }
0x1db: {  	[tilespmem:s3+$0x0] =	vst v1;
	s3 =	sadd.s32 $0x10, s3  }
.LBB2_51:
0x1dc: {  	s0 =	sshll.u32 s6, $0xB  }
0x1dd: {  	[tilespmem:s6+$0xC818] =	vst.msk $0x1, v0;
	s0 =	sshra.s32 s0, $0x2  }
0x1de: {  	s2 =	simm.s32 $0x0;
	s3 =	smov.u32 s10;
	v0 =	vld [tilespmem:s10+$0x0];
	s0 =	sadd.s32 $0xC838, s0  }
.LBB2_52:
0x1df: {  	s2 =	sadd.s32 $0x10, s2  }
0x1e0: {  	p1 =	slt.u32 s2, $0x1F0  }
.Ltmp42:
0x1e1: {  	_ = 	snop;
	(pc) =	sbr.rel @p1 .LBB2_52-.Ltmp42, $3  }
0x1e2: {  	_ =	sdelay $0x1  }
0x1e3: {  	s3 =	sadd.s32 $0x10, s3;
	[tilespmem:s0+$0x0] =	vst v0;
	s0 =	sadd.s32 $0x10, s0  }
0x1e4: {  	v0 =	vld [tilespmem:s3+$0x0]  }
.Ltmp43:
0x1e5: {  	_ = 	snop;
	(pc) =	sbr.rel .LBB2_54-.Ltmp43, $2  }
0x1e6: {  	_ =	sdelay $0x2  }
0x1e7: {  	s6 =	sadd.s32 $0x1, s6;
	[tilespmem:s0+$0x0] =	vst v0  }
.LBB2_55:
0x1e8: {  	s0 =	simm.s32 $0x6;
	p1 =	seq.s32 s6, $0x0  }
0x1e9: {  	[sflag:s0] =	ssyncpa.u1 $0x1;
	v0 =	vimm.s32 @p1 $0xFFFFFFFF  }
0x1ea: {  	s0 =	sadd.s32 $0xFFFFFFFF, s6;
	[tilespmem:$0x10838] =	vst @p1 v0  }
0x1eb: {  	v0 =	vld.msk @!p1 [tilespmem:s0+$0xC818], $0x1;
	_ =	sdelay $0x1  }
0x1ec: {  	v1 =	vld.msk @!p1 [tilespmem:$0xC818], $0x1;
	_ =	sdelay $0x2  }
0x1ed: {  	p2 =	seq.s32 @!p1 s0, $0x0;
	v0 =	vbroadcast @!p1 v0, $0x0  }
0x1ee: {  	vm0 =	vmmov @!p1 $0x1;
	p2 =	por !p2, p1  }
0x1ef: {  	v1 =	vnsel @!p1 vm0, $0xFFFFFFFF, v1;
	vm0 =	vcmask @!p1 $0x308;
	v0 =	vpsel !p2, $0xFFFFFFFF, v0  }
0x1f0: {  	p2 =	sne.s32 @!p1 s8, s7;
	v0 =	vsel @!p1 vm0, v1, v0  }
0x1f1: {  	s2 =	simm.s32 @!p1 $0xC838;
	s3 =	simm.s32 @!p1 $0x0;
	p3 =	por !p2, p1;
	[tilespmem:$0x10838] =	vst @!p1 v0  }
0x1f2: {  	[spmem:s3] =	stream.linear.scatter @!p1 [tilespmem:s2], [sflag:$0x1], $0x200, $0x38;
	[tilespmem:$0x1C938] =	vst v63  }
0x1f3: {  	s2 =	sshll.u32 @!p3 s0, $0xB  }
0x1f4: {  	s2 =	sshra.s32 @!p3 s2, $0x2  }
0x1f5: {  	s3 =	simm.s32 @!p3 $0x200;
	s2 =	sadd.s32 @!p3 $0xC838, s2  }
0x1f6: {  	[spmem:s3] =	stream.linear.scatter @!p3 [tilespmem:s2], [sflag:$0x1], $0x200, $0x38;
	[tilespmem:$0x1C938] =	vst v63  }
0x1f7: {  	s2 =	simm.s32 @!p3 $0x1  }
0x1f8: {  	_ =	swait.ge @!p3 [sflag:s2], $0x400  }
0x1f9: {  	p1 =	por p2, p1;
	[sflag:s2] =	ssyncset.done @!p3 $0x0  }
0x1fa: {  	[sflag:s2] =	ssyncadd.s32 @!p3 $0xFFFFFC00;
	s2 =	simm.s32 @!p1 $0x1  }
0x1fb: {  	_ =	swait.ge @!p1 [sflag:s2], $0x200  }
0x1fc: {  	s29 =	simm.s32 $0x10838;
	[sflag:s2] =	ssyncset.done @!p1 $0x0  }
0x1fd: {  	s30 =	simm.s32 $0x4000;
	s31 =	simm.s32 $0x1;
	[sflag:s2] =	ssyncadd.s32 @!p1 $0xFFFFFE00  }
0x1fe: {  	[spmem:s30] =	stream.linear.scatter [tilespmem:s29], [sflag:$0x1], $0x10, $0x38;
	[tilespmem:$0x1C938] =	vst v63  }
0x1ff: {  	_ =	swait.ge [sflag:s31], $0x10  }
0x200: {  	[sflag:s31] =	ssyncset.done $0x0  }
0x201: {  	p1 =	seq.s32 s16, $0x0;
	s9 =	rddreg [dreg:$0x2];
	[sflag:s31] =	ssyncadd.s32 $0xFFFFFFF0  }
0x202: {  	s3 =	sshll.u32 @p1 s9, $0xE;
	s8 =	rddreg [dreg:$0x3]  }
0x203: {  	s2 =	sadd.s32 @p1 $0x15C3C, s3;
	s3 =	sshll.u32 @p1 s8, $0x11  }
0x204: {  	_ =	sfence.stream.spmem;
	s2 =	sor.u32 @p1 s3, s2  }
0x205: {  	[sflag:s2] =	ssyncadd.remote.s32 @p1 $0x1;
	s2 =	simm.s32 @p1 $0x4  }
0x206: {  	s4 =	simm.s32 @!p1 $0x3C;
	s3 =	sand.u32 $0xFFFFFFFE, s9;
	_ =	swait.ge @p1 [sflag:s2], $0x82  }
0x207: {  	s5 =	simm.s32 @!p1 $0x0;
	s3 =	sadd.s32 @!p1 $0x4, s3;
	[sflag:s2] =	ssyncset.done @p1 $0x0  }
0x208: {  	s7 =	simm.s32 @!p1 $0x400;
	[sflag:s2] =	ssyncadd.s32 @p1 $0xFFFFFF7E;
	s2 =	sshll.u32 @!p1 s3, $0x1A  }
0x209: {  	s3 =	sshll.u32 @!p1 s3, $0xD;
	s2 =	sor.u32 @!p1 s2, s8;
	_ =	swait.eq @!p1 [sflag:s4], $0x1  }
0x20a: {  	s3 =	sor.u32 @!p1 $0x1C04, s3;
	s4 =	simm.s32 @!p1 $0x1C03;
	s2 =	sor.u32 @!p1 $0x80004000, s2  }
0x20b: {  	[spmem:s7], [sflag:s3] =	dma.general @!p1 [spmem:s5], [sflag:s4], length:$0x80, [dreg:$0x0], stride_count:$0x0, ici_dest:s2, dma_misc:DstOpCode:WRITE  }
0x20c: {  	p2 =	slt.s32 s0, $0x2;
	s5 =	simm.s32 @!p1 $0x800;
	s7 =	simm.s32 @!p1 $0x802  }
0x20d: {  	[spmem:s7], [sflag:s3] =	dma.general @!p1 [spmem:s5], [sflag:s4], length:$0x2, [dreg:$0x0], stride_count:$0x0, ici_dest:s2, dma_misc:DstOpCode:WRITE  }
.Ltmp44:
0x20e: {  	s2 =	simm.s32 @!p1 $0x3;
	(pc) =	sbr.rel @p2 .LBB2_59-.Ltmp44, $4  }
0x20f: {  	s3 =	sshll.u32 @!p1 s9, $0xE;
	_ =	swait.ge @!p1 [sflag:s2], $0x82  }
0x210: {  	s4 =	sshll.u32 @!p1 s8, $0x11;
	s3 =	sadd.s32 @!p1 $0x11C3C, s3;
	[sflag:s2] =	ssyncset.done @!p1 $0x0  }
0x211: {  	[sflag:s2] =	ssyncadd.s32 @!p1 $0xFFFFFF7E;
	s2 =	sor.u32 @!p1 s4, s3  }
0x212: {  	s0 =	simm.s32 $0x0;
	[sflag:s2] =	ssyncadd.remote.s32 @!p1 $0xFFFFFFFF  }
0x213: {  	s0 =	simm.s32 $0xC819  }
0x214: {  	v0 =	vld.msk [tilespmem:s0+$0x0], $0x1;
	_ =	sdelay $0x4  }
0x215: {  	(v2sf) =	vpush v0, $0x0;
	_ =	sdelay $0xe  }
0x216: {  	s2 =	sadd.s32 $0xFFFFFFFE, s6;
	s6 =	spop (v2sf)  }
0x217: {  	s0 =	simm.s32 $0x0;
	s4 =	sadd.s32 $0xFFFFFFFF, s2;
	p1 =	sgt.u32 s6, $0x1E70  }
0x218: {  	s2 =	simm.s32 $0xCA38;
	p2 =	sne.s32 s4, $0x0;
	s3 =	sand.u32 @!p1 $0x1FF8, s6  }
0x219: {  	s5 =	sadd.s32 @!p1 $0x80, s6;
	s7 =	sadd.s32 @!p1 $0x100, s6;
	s8 =	sadd.s32 @!p1 s1, s3  }
0x21a: {  	s3 =	sand.u32 @!p1 $0x7, s6;
	s5 =	sand.u32 @!p1 $0x3FF8, s5;
	s7 =	sand.u32 @!p1 $0x3FF8, s7  }
0x21b: {  	[hbm4b:s8+s3] =	stream.linear.scatter @!p1 [tilespmem:s2], [sflag:$0x5], $0x80, $0x38;
	[tilespmem:$0x1C938] =	vst v63  }
0x21c: {  	s2 =	simm.s32 @!p1 $0xCAB8;
	s5 =	sadd.s32 @!p1 s1, s5;
	s7 =	sadd.s32 @!p1 s1, s7  }
.Ltmp45:
0x21d: {  	s8 =	sadd.s32 @!p1 $0x180, s6;
	s6 =	simm.s32 $0x0;
	(pc) =	sbr.rel @!p2 .LBB2_58-.Ltmp45, $4  }
0x21e: {  	[hbm4b:s5+s3] =	stream.linear.scatter @!p1 [tilespmem:s2], [sflag:$0x5], $0x80, $0x38;
	[tilespmem:$0x1C938] =	vst v63  }
0x21f: {  	s6 =	simm.s32 @!p1 $0x800;
	s8 =	sand.u32 @!p1 $0x3FF8, s8;
	s5 =	simm.s32 @!p1 $0xCB38  }
0x220: {  	[hbm4b:s7+s3] =	stream.linear.scatter @!p1 [tilespmem:s5], [sflag:$0x5], $0x80, $0x38;
	[tilespmem:$0x1C938] =	vst v63  }
0x221: {  	s2 =	simm.s32 $0xC81A;
	s5 =	simm.s32 $0xCC38;
	s7 =	simm.s32 @!p1 $0xCBB8  }
.LBB2_57:
0x222: {  	s4 =	sadd.s32 $0xFFFFFFFF, s4;
	s8 =	sadd.s32 @!p1 s1, s8;
	s0 =	sadd.s32 s0, s6  }
0x223: {  	[hbm4b:s8+s3] =	stream.linear.scatter @!p1 [tilespmem:s7], [sflag:$0x5], $0x80, $0x38;
	[tilespmem:$0x1C938] =	vst v63  }
0x224: {  	p2 =	sne.s32 s4, $0x0;
	s7 =	smov.u32 s5;
	v0 =	vld.msk [tilespmem:s2+$0x0], $0x1;
	_ =	sdelay $0x4  }
0x225: {  	(v2sf) =	vpush v0, $0x0;
	_ =	sdelay $0xe  }
0x226: {  	s6 =	spop (v2sf)  }
0x227: {  	s5 =	sadd.s32 $0x200, s5;
	s2 =	sadd.s32 $0x1, s2;
	p1 =	sgt.u32 s6, $0x1E70  }
0x228: {  	s3 =	sand.u32 @!p1 $0x1FF8, s6;
	s8 =	sadd.s32 @!p1 $0x80, s6;
	s9 =	sadd.s32 @!p1 $0x100, s6  }
0x229: {  	s10 =	sadd.s32 @!p1 s1, s3;
	s3 =	sand.u32 @!p1 $0x7, s6;
	s8 =	sand.u32 @!p1 $0x3FF8, s8  }
0x22a: {  	[hbm4b:s10+s3] =	stream.linear.scatter @!p1 [tilespmem:s7], [sflag:$0x5], $0x80, $0x38;
	[tilespmem:$0x1C938] =	vst v63  }
0x22b: {  	s9 =	sand.u32 @!p1 $0x3FF8, s9;
	s10 =	sadd.s32 @!p1 $0x80, s7  }
.Ltmp46:
0x22c: {  	s8 =	sadd.s32 @!p1 s1, s8;
	s9 =	sadd.s32 @!p1 s1, s9;
	(pc) =	sbr.rel @p2 .LBB2_57-.Ltmp46, $4  }
0x22d: {  	[hbm4b:s8+s3] =	stream.linear.scatter @!p1 [tilespmem:s10], [sflag:$0x5], $0x80, $0x38;
	[tilespmem:$0x1C938] =	vst v63  }
0x22e: {  	s8 =	sadd.s32 @!p1 $0x100, s7;
	s10 =	sadd.s32 @!p1 $0x180, s6;
	s6 =	simm.s32 $0x0  }
0x22f: {  	[hbm4b:s9+s3] =	stream.linear.scatter @!p1 [tilespmem:s8], [sflag:$0x5], $0x80, $0x38;
	[tilespmem:$0x1C938] =	vst v63  }
0x230: {  	s7 =	sadd.s32 @!p1 $0x180, s7;
	s6 =	simm.s32 @!p1 $0x800;
	s8 =	sand.u32 @!p1 $0x3FF8, s10  }
.LBB2_58:
0x231: {  	s2 =	sadd.s32 @!p1 s1, s8;
	s0 =	sadd.s32 s0, s6  }
0x232: {  	[hbm4b:s2+s3] =	stream.linear.scatter @!p1 [tilespmem:s7], [sflag:$0x5], $0x80, $0x38;
	[tilespmem:$0x1C938] =	vst v63  }
0x233: {  	s0 =	sshrl.u32 s0, $0x2  }
.LBB2_59:
0x234: {  	s2 =	simm.s32 $0x5  }
0x235: {  	_ =	swait.ge [sflag:s2], s0  }
0x236: {  	s31 =	ssub.s32 $0x0, s0;
	[sflag:s2] =	ssyncset.done $0x0  }
0x237: {  	[sflag:s2] =	ssyncadd.s32 s31  }
0x238: {  	[sflag:s2] =	ssyncpa.u1 $0x1  }
.LBB2_60:
0x239: {  	s0 =	sor.u32 s16, s17  }
0x23a: {  	p1 =	sne.s32 s0, $0x0  }
.Ltmp47:
0x23b: {  	_ = 	snop;
	(pc) =	sbr.rel @p1 .LBB2_81-.Ltmp47, $3  }
0x23c: {  	_ =	sdelay $0x1  }
0x23d: {  	[bflag:$0x0] =	sbarrier.arrive $0xFFFF  }
0x23e: {  	_ =	sfence  }
0x23f: {  	s0 =	simm.s32 $0x7  }
0x240: {  	s2 =	simm.s32 $0x4000;
	s3 =	simm.s32 $0xC818;
	[sflag:s0] =	ssyncpa.u1 $0x0  }
0x241: {  	[tilespmem:s3], [sflag:$0x7] =	stream.linear.gather [spmem:s2], $0x20, $0x38;
	[tilespmem:$0x1C938] =	vst v63  }
0x242: {  	s2 =	simm.s32 $0x0;
	s3 =	simm.s32 $0xC838  }
0x243: {  	[tilespmem:s3], [sflag:$0x7] =	stream.linear.gather [spmem:s2], $0x4000, $0x38;
	[tilespmem:$0x1C938] =	vst v63  }
.Ltmp48:
0x244: {  	_ = 	snop;
	(pc) =	sbr.rel .LBB2_62-.Ltmp48, $4  }
0x245: {  	_ =	swait.ge [sflag:s0], $0x4020  }
0x246: {  	s4 =	simm.s32 $0x8;
	[sflag:s0] =	ssyncset.done $0x0  }
0x247: {  	s5 =	simm.s32 $0xC688;
	s6 =	simm.s32 $0xC708;
	[sflag:s0] =	ssyncadd.s32 $0xFFFFBFE0  }
0x248: {  	s7 =	simm.s32 $0xC788;
	s8 =	simm.s32 $0x0;
	[sflag:s4] =	ssyncpa.u1 $0x0  }
.LBB2_75:
0x249: {  	s8 =	sadd.s32 $0x1, s8  }
0x24a: {  	p1 =	sne.s32 s8, $0x20  }
.Ltmp49:
0x24b: {  	_ = 	snop;
	(pc) =	sbr.rel @!p1 .LBB2_76-.Ltmp49, $2  }
0x24c: {  	_ =	sdelay $0x2  }
0x24d: {  	s3 =	sadd.s32 $0x200, s3  }
.LBB2_62:
0x24e: {  	v0 =	vld.msk [tilespmem:s8+$0xC818], $0x1;
	_ =	sdelay $0x4  }
0x24f: {  	(v2sf) =	vpush v0, $0x0;
	_ =	sdelay $0xe  }
0x250: {  	s0 =	spop (v2sf)  }
0x251: {  	p1 =	seq.s32 s0, $0xFFFFFFFF  }
.Ltmp50:
0x252: {  	_ = 	snop;
	(pc) =	sbr.rel @p1 .LBB2_75-.Ltmp50, $1  }
0x253: {  	_ =	sdelay $0x3  }
0x254: {  	p1 =	slt.s32 s2, $0x1  }
.Ltmp51:
0x255: {  	_ = 	snop;
	(pc) =	sbr.rel @p1 .LBB2_69-.Ltmp51, $1  }
0x256: {  	_ =	sdelay $0x3  }
0x257: {  	s9 =	simm.s32 $0xC818;
	p1 =	por $0x0, $0x0  }
0x258: {  	v1 =	vld.msk @!p1 [tilespmem:s9+$0x0], $0x1;
	_ =	sdelay $0x4  }
0x259: {  	(v2sf) =	vpush @!p1 v1, $0x0;
	_ =	sdelay $0xd  }
0x25a: {  	p3 =	sne.s32 s2, $0x1  }
.Ltmp52:
0x25b: {  	s10 =	spop @!p1 (v2sf);
	(pc) =	sbr.rel @!p3 .LBB2_66-.Ltmp52, $4  }
0x25c: {  	p2 =	seq.s32 @!p1 s0, s10  }
0x25d: {  	s10 =	simm.s32 $0x0;
	p2 =	por !p2, p1  }
0x25e: {  	s12 =	simm.s32 $0xFFFFFFFF;
	s10 =	simm.s32 @p2 $0xFFFFFFFF  }
0x25f: {  	s11 =	simm.s32 $0x1;
	s10 =	smov.u32 @p1 s12  }
.LBB2_65:
0x260: {  	s12 =	smov.u32 s10;
	p1 =	sne.s32 s10, $0xFFFFFFFF  }
0x261: {  	s9 =	sadd.s32 $0x1, s9;
	s10 =	smov.u32 s11;
	s11 =	sadd.s32 $0x1, s11  }
0x262: {  	p2 =	sne.s32 s2, s11;
	v1 =	vld.msk @!p1 [tilespmem:s9+$0x0], $0x1;
	_ =	sdelay $0x4  }
0x263: {  	(v2sf) =	vpush @!p1 v1, $0x0;
	_ =	sdelay $0xe  }
.Ltmp53:
0x264: {  	s13 =	spop @!p1 (v2sf);
	(pc) =	sbr.rel @p2 .LBB2_65-.Ltmp53, $4  }
0x265: {  	p3 =	seq.s32 @!p1 s0, s13  }
0x266: {  	p3 =	por !p3, p1  }
0x267: {  	s10 =	simm.s32 @p3 $0xFFFFFFFF  }
0x268: {  	s10 =	smov.u32 @p1 s12  }
.LBB2_66:
0x269: {  	p1 =	seq.s32 s10, $0xFFFFFFFF  }
.Ltmp54:
0x26a: {  	_ = 	snop;
	(pc) =	sbr.rel @p1 .LBB2_69-.Ltmp54, $1  }
0x26b: {  	_ =	sdelay $0x3  }
0x26c: {  	s0 =	sshll.u32 s10, $0xB  }
0x26d: {  	s0 =	sshra.s32 s0, $0x2  }
0x26e: {  	v1 =	vld [tilespmem:s3+$0x0];
	s9 =	sadd.s32 $0xC838, s0  }
0x26f: {  	v0 =	vld [tilespmem:s9+$0x0];
	_ =	sdelay $0x4  }
0x270: {  	v0 =	vmax.f32 v1, v0  }
0x271: {  	s10 =	smov.u32 s3;
	s0 =	simm.s32 $0x0;
	[tilespmem:s9+$0x0] =	vst v0;
	s9 =	sadd.s32 $0x10, s9  }
.LBB2_68:
0x272: {  	v0 =	vld [tilespmem:s9+$0x0];
	s10 =	sadd.s32 $0x10, s10  }
0x273: {  	s0 =	sadd.s32 $0x10, s0;
	v1 =	vld [tilespmem:s10+$0x0]  }
0x274: {  	p1 =	slt.u32 s0, $0x1F0  }
.Ltmp55:
0x275: {  	(pc) =	sbr.rel @p1 .LBB2_68-.Ltmp55, $3  }
0x276: {  	_ =	sdelay $0x1  }
0x277: {  	v0 =	vmax.f32 v1, v0  }
0x278: {  	[tilespmem:s9+$0x0] =	vst v0;
	s9 =	sadd.s32 $0x10, s9  }
.Ltmp56:
0x279: {  	_ = 	snop;
	(pc) =	sbr.rel .LBB2_75-.Ltmp56, $1  }
0x27a: {  	_ =	sdelay $0x3  }
.LBB2_69:
0x27b: {  	p1 =	sgt.u32 s0, $0x1E70  }
.Ltmp57:
0x27c: {  	_ = 	snop;
	(pc) =	sbr.rel @p1 .LBB2_72-.Ltmp57, $1  }
0x27d: {  	_ =	sdelay $0x3  }
0x27e: {  	s9 =	sand.u32 $0x1FF8, s0;
	s11 =	sand.u32 $0x7, s0  }
0x27f: {  	s29 =	sadd.s32 $0x80, s0;
	s10 =	sadd.s32 s1, s9;
	s9 =	simm.s32 $0xC608  }
0x280: {  	[tilespmem:s9], [sflag:$0x8] =	stream.linear.gather [hbm4b:s10+s11], $0x80, $0x38;
	[tilespmem:$0x1C938] =	vst v63  }
0x281: {  	s10 =	sand.u32 $0x3FF8, s29  }
0x282: {  	s30 =	sadd.s32 $0x100, s0;
	s10 =	sadd.s32 s1, s10  }
0x283: {  	[tilespmem:s5], [sflag:$0x8] =	stream.linear.gather [hbm4b:s10+s11], $0x80, $0x38;
	[tilespmem:$0x1C938] =	vst v63  }
0x284: {  	s31 =	sadd.s32 $0x180, s0;
	s10 =	sand.u32 $0x3FF8, s30  }
0x285: {  	s0 =	sand.u32 $0x3FF8, s31;
	s10 =	sadd.s32 s1, s10  }
0x286: {  	[tilespmem:s6], [sflag:$0x8] =	stream.linear.gather [hbm4b:s10+s11], $0x80, $0x38;
	[tilespmem:$0x1C938] =	vst v63  }
0x287: {  	s0 =	sadd.s32 s1, s0  }
0x288: {  	[tilespmem:s7], [sflag:$0x8] =	stream.linear.gather [hbm4b:s0+s11], $0x80, $0x38;
	[tilespmem:$0x1C938] =	vst v63  }
0x289: {  	_ =	swait.ge [sflag:s4], $0x200  }
0x28a: {  	[sflag:s4] =	ssyncset.done $0x0  }
0x28b: {  	[sflag:s4] =	ssyncadd.s32 $0xFFFFFE00  }
0x28c: {  	v1 =	vld [tilespmem:s3+$0x0]  }
0x28d: {  	v2 =	vld [tilespmem:s9+$0x0];
	_ =	sdelay $0x4  }
0x28e: {  	v1 =	vmax.f32 v2, v1  }
0x28f: {  	s10 =	sadd.s32 $0x10, s3;
	s0 =	simm.s32 $0x0;
	[tilespmem:s3+$0x0] =	vst v1  }
.LBB2_71:
0x290: {  	v1 =	vld [tilespmem:s10+$0x0];
	s9 =	sadd.s32 $0x10, s9  }
0x291: {  	s0 =	sadd.s32 $0x10, s0;
	v2 =	vld [tilespmem:s9+$0x0]  }
0x292: {  	p1 =	slt.u32 s0, $0x1F0  }
.Ltmp58:
0x293: {  	(pc) =	sbr.rel @p1 .LBB2_71-.Ltmp58, $3  }
0x294: {  	_ =	sdelay $0x1  }
0x295: {  	v1 =	vmax.f32 v2, v1  }
0x296: {  	[tilespmem:s10+$0x0] =	vst v1;
	s10 =	sadd.s32 $0x10, s10  }
.LBB2_72:
0x297: {  	s0 =	sshll.u32 s2, $0xB  }
0x298: {  	[tilespmem:s2+$0xC818] =	vst.msk $0x1, v0;
	s0 =	sshra.s32 s0, $0x2  }
0x299: {  	s9 =	simm.s32 $0x0;
	s10 =	smov.u32 s3;
	v0 =	vld [tilespmem:s3+$0x0];
	s0 =	sadd.s32 $0xC838, s0  }
.LBB2_73:
0x29a: {  	s9 =	sadd.s32 $0x10, s9  }
0x29b: {  	p1 =	slt.u32 s9, $0x1F0  }
.Ltmp59:
0x29c: {  	_ = 	snop;
	(pc) =	sbr.rel @p1 .LBB2_73-.Ltmp59, $3  }
0x29d: {  	_ =	sdelay $0x1  }
0x29e: {  	s10 =	sadd.s32 $0x10, s10;
	[tilespmem:s0+$0x0] =	vst v0;
	s0 =	sadd.s32 $0x10, s0  }
0x29f: {  	v0 =	vld [tilespmem:s10+$0x0]  }
.Ltmp60:
0x2a0: {  	_ = 	snop;
	(pc) =	sbr.rel .LBB2_75-.Ltmp60, $2  }
0x2a1: {  	_ =	sdelay $0x2  }
0x2a2: {  	s2 =	sadd.s32 $0x1, s2;
	[tilespmem:s0+$0x0] =	vst v0  }
.LBB2_76:
0x2a3: {  	p1 =	slt.s32 s2, $0x1  }
.Ltmp61:
0x2a4: {  	_ = 	snop;
	(pc) =	sbr.rel @p1 .LBB2_80-.Ltmp61, $3  }
0x2a5: {  	_ =	sdelay $0x1  }
0x2a6: {  	s0 =	simm.s32 $0x8  }
0x2a7: {  	[sflag:s0] =	ssyncpa.u1 $0x1;
	s0 =	simm.s32 $0x0  }
0x2a8: {  	s3 =	simm.s32 $0xC818  }
0x2a9: {  	v0 =	vld.msk [tilespmem:s3+$0x0], $0x1;
	_ =	sdelay $0x4  }
0x2aa: {  	(v2sf) =	vpush v0, $0x0;
	_ =	sdelay $0xe  }
0x2ab: {  	s7 =	spop (v2sf)  }
0x2ac: {  	s2 =	sadd.s32 $0xFFFFFFFF, s2;
	p1 =	sgt.u32 s7, $0x1E70  }
0x2ad: {  	s3 =	simm.s32 $0xC838;
	s4 =	sand.u32 @!p1 $0x1FF8, s7;
	s8 =	sadd.s32 @!p1 $0x80, s7  }
0x2ae: {  	s5 =	sand.u32 @!p1 $0x7, s7;
	s4 =	sadd.s32 @!p1 s1, s4;
	s8 =	sand.u32 @!p1 $0x3FF8, s8  }
0x2af: {  	[hbm4b:s4+s5] =	stream.linear.scatter @!p1 [tilespmem:s3], [sflag:$0x7], $0x80, $0x38;
	[tilespmem:$0x1C938] =	vst v63  }
0x2b0: {  	p2 =	sne.s32 s2, $0x0;
	s3 =	simm.s32 @!p1 $0xC8B8;
	s4 =	sadd.s32 @!p1 s1, s8  }
0x2b1: {  	[hbm4b:s4+s5] =	stream.linear.scatter @!p1 [tilespmem:s3], [sflag:$0x7], $0x80, $0x38;
	[tilespmem:$0x1C938] =	vst v63  }
.Ltmp62:
0x2b2: {  	s6 =	simm.s32 $0x0;
	s9 =	sadd.s32 @!p1 $0x100, s7;
	(pc) =	sbr.rel @!p2 .LBB2_79-.Ltmp62, $4  }
0x2b3: {  	s6 =	simm.s32 @!p1 $0x800;
	s8 =	sand.u32 @!p1 $0x3FF8, s9;
	s3 =	simm.s32 @!p1 $0xC938  }
0x2b4: {  	s4 =	sadd.s32 @!p1 s1, s8;
	s8 =	sadd.s32 @!p1 $0x180, s7;
	s7 =	simm.s32 @!p1 $0xC9B8  }
0x2b5: {  	[hbm4b:s4+s5] =	stream.linear.scatter @!p1 [tilespmem:s3], [sflag:$0x7], $0x80, $0x38;
	[tilespmem:$0x1C938] =	vst v63  }
0x2b6: {  	s8 =	sand.u32 @!p1 $0x3FF8, s8;
	s3 =	simm.s32 $0xC819;
	s4 =	simm.s32 $0xCA38  }
.LBB2_78:
0x2b7: {  	s2 =	sadd.s32 $0xFFFFFFFF, s2;
	s8 =	sadd.s32 @!p1 s1, s8;
	s0 =	sadd.s32 s0, s6  }
0x2b8: {  	[hbm4b:s8+s5] =	stream.linear.scatter @!p1 [tilespmem:s7], [sflag:$0x7], $0x80, $0x38;
	[tilespmem:$0x1C938] =	vst v63  }
0x2b9: {  	p2 =	sne.s32 s2, $0x0;
	s7 =	smov.u32 s4;
	v0 =	vld.msk [tilespmem:s3+$0x0], $0x1;
	_ =	sdelay $0x4  }
0x2ba: {  	(v2sf) =	vpush v0, $0x0;
	_ =	sdelay $0xe  }
0x2bb: {  	s6 =	spop (v2sf)  }
0x2bc: {  	s4 =	sadd.s32 $0x200, s4;
	s3 =	sadd.s32 $0x1, s3;
	p1 =	sgt.u32 s6, $0x1E70  }
0x2bd: {  	s5 =	sand.u32 @!p1 $0x1FF8, s6;
	s8 =	sadd.s32 @!p1 $0x80, s6;
	s9 =	sadd.s32 @!p1 $0x100, s6  }
0x2be: {  	s10 =	sadd.s32 @!p1 s1, s5;
	s5 =	sand.u32 @!p1 $0x7, s6;
	s8 =	sand.u32 @!p1 $0x3FF8, s8  }
0x2bf: {  	[hbm4b:s10+s5] =	stream.linear.scatter @!p1 [tilespmem:s7], [sflag:$0x7], $0x80, $0x38;
	[tilespmem:$0x1C938] =	vst v63  }
0x2c0: {  	s9 =	sand.u32 @!p1 $0x3FF8, s9;
	s10 =	sadd.s32 @!p1 $0x80, s7  }
.Ltmp63:
0x2c1: {  	s8 =	sadd.s32 @!p1 s1, s8;
	s9 =	sadd.s32 @!p1 s1, s9;
	(pc) =	sbr.rel @p2 .LBB2_78-.Ltmp63, $4  }
0x2c2: {  	[hbm4b:s8+s5] =	stream.linear.scatter @!p1 [tilespmem:s10], [sflag:$0x7], $0x80, $0x38;
	[tilespmem:$0x1C938] =	vst v63  }
0x2c3: {  	s8 =	sadd.s32 @!p1 $0x100, s7;
	s10 =	sadd.s32 @!p1 $0x180, s6;
	s6 =	simm.s32 $0x0  }
0x2c4: {  	[hbm4b:s9+s5] =	stream.linear.scatter @!p1 [tilespmem:s8], [sflag:$0x7], $0x80, $0x38;
	[tilespmem:$0x1C938] =	vst v63  }
0x2c5: {  	s7 =	sadd.s32 @!p1 $0x180, s7;
	s6 =	simm.s32 @!p1 $0x800;
	s8 =	sand.u32 @!p1 $0x3FF8, s10  }
.LBB2_79:
0x2c6: {  	s1 =	sadd.s32 @!p1 s1, s8;
	s0 =	sadd.s32 s0, s6  }
0x2c7: {  	[hbm4b:s1+s5] =	stream.linear.scatter @!p1 [tilespmem:s7], [sflag:$0x7], $0x80, $0x38;
	[tilespmem:$0x1C938] =	vst v63  }
0x2c8: {  	s0 =	sshrl.u32 s0, $0x2  }
.LBB2_80:
0x2c9: {  	s1 =	simm.s32 $0x7  }
0x2ca: {  	_ =	swait.ge [sflag:s1], s0  }
0x2cb: {  	s31 =	ssub.s32 $0x0, s0;
	[sflag:s1] =	ssyncset.done $0x0  }
0x2cc: {  	[sflag:s1] =	ssyncadd.s32 s31  }
0x2cd: {  	[sflag:s1] =	ssyncpa.u1 $0x1  }
.LBB2_81:
0x2ce: {  	_ =	sfence;
	s0 =	simm.s32 $0x1  }
0x2cf: {  	[sflag:s0] =	ssyncpa.u1 $0x1  }
0x2d0: {  	_ =	strace $0x9000004A  }
0x2d1: {  	[bflag:$0x2] =	sbarrier.arrive $0xFFFF  }
0x2d2: {  	s0 =	rddreg [dreg:$0x4]  }
0x2d3: {  	s0 =	sadd.s32 @!p0 $0x100000, s0  }
0x2d4: {  	[sflag:s0] =	ssyncadd.tile.s32 @!p0 $0x1;
	_ =	shalt  }
.Lfunc_end2:
_tile_overlayer_lowered:
.L_overlay_start_2:
0x2d5: {  	(tag) =	ssettag $0x2  }
0x2d6: {  	s0 =	rddreg [dreg:$0x0];
	s2 =	stileid.u32  }
0x2d7: {  	s1 =	rddreg [dreg:$0x1];
	p0 =	sne.s32 s2, $0x0  }
0x2d8: {  	s3 =	rddreg [dreg:$0x2];
	[bflag:$0x3] =	sbarrier.arrive $0xFFFF;
	s2 =	simm.s32 @!p0 $0x1C01  }
0x2d9: {  	[timem:s3], [sflag:s2] =	dma.local @!p0 [hbm:s0], s1  }
0x2da: {  	s0 =	simm.s32 @!p0 $0x1  }
0x2db: {  	_ =	swait.ge @!p0 [sflag:s0], s1  }
0x2dc: {  	s1 =	ssub.s32 @!p0 $0x0, s1;
	[sflag:s0] =	ssyncset.done @!p0 $0x0  }
0x2dd: {  	[sflag:s0] =	ssyncadd.s32 @!p0 s1  }
0x2de: {  	[bflag:$0x3] =	sbarrier.arrive $0xFFFF  }
0x2df: {  	_ =	shalt  }

// kernel: scatter_offload_async_start
scs
__scs_entry_jumppad:
0x0: {  	(pc) =	sbr.rel $0x88, $3  }
0x1: {  	(tag) =	ssettag $0x0;
	lr =	simm.s32 $0x1  }
0x2: {  	[smem:$0x3F8C] =	sst lr;
	_ =	strace $0xD0000000  }
0x3: {  	_ = 	snop  }
0x4: {  	_ = 	snop  }
0x5: {  	_ = 	snop  }
0x6: {  	_ = 	snop  }
0x7: {  	_ = 	snop  }
__scs_overlays_trampoline_lowered:
0x8: {  	[smem:$0x3F9B] =	sst s0  }
0x9: {  	[smem:$0x3F9C] =	sst s1  }
0xa: {  	[smem:$0x3F9D] =	sst s2  }
0xb: {  	[smem:$0x3F9E] =	sst s3  }
0xc: {  	[smem:$0x3F9F] =	sst s4  }
0xd: {  	[smem:$0x3FA0] =	sst s5  }
0xe: {  	[smem:$0x3FA1] =	sst s6  }
0xf: {  	[smem:$0x3FA2] =	sst s7  }
0x10: {  	[smem:$0x3FA3] =	sst s8  }
0x11: {  	[smem:$0x3FA4] =	sst s9;
	s0 =	simm.s32 @!p0 $0x0  }
0x12: {  	s1 =	sld [smem:$0x3F8A];
	s0 =	simm.s32 @p0 $0x1  }
0x13: {  	[smem:$0x3FA5] =	sst s0;
	s0 =	simm.s32 @!p1 $0x0  }
0x14: {  	s2 =	sld [smem:$0x3F89];
	s0 =	simm.s32 @p1 $0x1  }
0x15: {  	[smem:$0x3FA6] =	sst s0;
	s0 =	simm.s32 @!p2 $0x0  }
0x16: {  	s3 =	sld [smem:$0x3FDB];
	s0 =	simm.s32 @p2 $0x1  }
0x17: {  	s4 =	simm.s32 $0x1BF5;
	[smem:$0x3FA8] =	sst s0  }
0x18: {  	s0 =	sld [smem:$0x3F8B];
	_ =	swait.ge [sflag:s4], $0x0  }
0x19: {  	s7 =	sld [smem:$0x3F8C]  }
0x1a: {  	s8 =	sadd.s32 $0xFFFFE003, lr  }
0x1b: {  	s9 =	sadd.s32 $0xFFFFFEF7, lr;
	s5 =	simm.s32 $0xFFFFFFFF;
	p2 =	slt.u32 s8, $0xFFFFF086  }
0x1c: {  	p1 =	slt.u32 s9, $0xF7A;
	s5 =	simm.s32 @!p2 $0x0  }
0x1d: {  	s5 =	simm.s32 @p1 $0x1;
	p0 =	seq.s32 s7, s2  }
0x1e: {  	s7 =	smul.u32 @!p0 $0xF7A, s2;
	p2 =	seq.s32 @!p0 s5, $0x0  }
0x1f: {  	s9 =	smul.u32 $0xF7A, s1;
	s8 =	simm.s32 @!p0 $0x1BF5;
	p2 =	por !p2, p0  }
0x20: {  	[sflag:s8] =	ssyncset.s32 @!p0 $0xFFFFF086;
	s6 =	sadd.s32 @!p0 s3, s7;
	s7 =	simm.s32 @!p0 $0x108  }
0x21: {  	s3 =	sadd.s32 s3, s9;
	s6 =	sadd.s32 @!p0 $0x88, s6;
	s7 =	simm.s32 @p2 $0x1082  }
0x22: {  	[simem:s7], [sflag:s8] =	dma.local @!p0 [hbm:s6], $0xF7A  }
0x23: {  	s9 =	sor.u32 $0xD0000000, s2;
	s6 =	simm.s32 $0x108;
	_ =	swait.ge @!p0 [sflag:s8], $0x0  }
0x24: {  	s3 =	sadd.s32 $0x88, s3;
	s6 =	simm.s32 @!p1 $0x1082;
	[sflag:s4] =	ssyncset.s32 $0xFFFFF086  }
0x25: {  	[simem:s6], [sflag:s4] =	dma.local [hbm:s3], $0xF7A  }
0x26: {  	[smem:$0x3F8C] =	sst s1;
	(tag) =	ssettag s2;
	_ =	strace s9  }
0x27: {  	s1 =	sld [smem:$0x3F9C]  }
0x28: {  	s2 =	sld [smem:$0x3F9D]  }
0x29: {  	s4 =	sld [smem:$0x3F9F]  }
0x2a: {  	p0 =	seq.s32 s5, $0x0;
	s5 =	sld [smem:$0x3FA0]  }
0x2b: {  	s6 =	sld [smem:$0x3FA1]  }
0x2c: {  	s7 =	sld [smem:$0x3FA2]  }
0x2d: {  	s3 =	simm.s32 $0x108;
	s8 =	sld [smem:$0x3FA3]  }
0x2e: {  	s3 =	simm.s32 @!p0 $0x1082;
	s9 =	sld [smem:$0x3FA4]  }
0x2f: {  	lr =	sadd.s32 s0, s3;
	s0 =	sld [smem:$0x3F9B]  }
0x30: {  	s3 =	sld [smem:$0x3F9E]  }
0x31: {  	[smem:$0x3FA7] =	sst s10  }
0x32: {  	s10 =	sld [smem:$0x3FA5];
	_ =	sdelay $0x3  }
0x33: {  	p0 =	seq.s32 s10, $0x1;
	s10 =	sld [smem:$0x3FA7];
	_ =	sdelay $0x3  }
0x34: {  	[smem:$0x3FA7] =	sst s10  }
0x35: {  	s10 =	sld [smem:$0x3FA6];
	_ =	sdelay $0x3  }
0x36: {  	p1 =	seq.s32 s10, $0x1;
	s10 =	sld [smem:$0x3FA7];
	_ =	sdelay $0x3  }
0x37: {  	[smem:$0x3FA7] =	sst s10  }
0x38: {  	s10 =	sld [smem:$0x3FA8]  }
0x39: {  	_ = 	snop;
	(pc) =	sbr.ind lr, $3  }
0x3a: {  	_ = 	snop  }
0x3b: {  	_ = 	snop  }
0x3c: {  	p2 =	seq.s32 s10, $0x1;
	s10 =	sld [smem:$0x3FA7]  }
0x3d: {  	_ =	shalt  }
0x3e: {  	_ =	shalt  }
0x3f: {  	_ =	shalt  }
0x40: {  	_ =	shalt  }
0x41: {  	_ =	shalt  }
0x42: {  	_ =	shalt  }
0x43: {  	_ =	shalt  }
0x44: {  	_ =	shalt  }
0x45: {  	_ =	shalt  }
0x46: {  	_ =	shalt  }
0x47: {  	_ =	shalt  }
0x48: {  	_ =	shalt  }
0x49: {  	_ =	shalt  }
0x4a: {  	_ =	shalt  }
0x4b: {  	_ =	shalt  }
0x4c: {  	_ =	shalt  }
0x4d: {  	_ =	shalt  }
0x4e: {  	_ =	shalt  }
0x4f: {  	_ =	shalt  }
0x50: {  	_ =	shalt  }
0x51: {  	_ =	shalt  }
0x52: {  	_ =	shalt  }
0x53: {  	_ =	shalt  }
0x54: {  	_ =	shalt  }
0x55: {  	_ =	shalt  }
0x56: {  	_ =	shalt  }
0x57: {  	_ =	shalt  }
0x58: {  	_ =	shalt  }
0x59: {  	_ =	shalt  }
0x5a: {  	_ =	shalt  }
0x5b: {  	_ =	shalt  }
0x5c: {  	_ =	shalt  }
0x5d: {  	_ =	shalt  }
0x5e: {  	_ =	shalt  }
0x5f: {  	_ =	shalt  }
0x60: {  	_ =	shalt  }
0x61: {  	_ =	shalt  }
0x62: {  	_ =	shalt  }
0x63: {  	_ =	shalt  }
0x64: {  	_ =	shalt  }
0x65: {  	_ =	shalt  }
0x66: {  	_ =	shalt  }
0x67: {  	_ =	shalt  }
0x68: {  	_ =	shalt  }
0x69: {  	_ =	shalt  }
0x6a: {  	_ =	shalt  }
0x6b: {  	_ =	shalt  }
0x6c: {  	_ =	shalt  }
0x6d: {  	_ =	shalt  }
0x6e: {  	_ =	shalt  }
0x6f: {  	_ =	shalt  }
0x70: {  	_ =	shalt  }
0x71: {  	_ =	shalt  }
0x72: {  	_ =	shalt  }
0x73: {  	_ =	shalt  }
0x74: {  	_ =	shalt  }
0x75: {  	_ =	shalt  }
0x76: {  	_ =	shalt  }
0x77: {  	_ =	shalt  }
0x78: {  	_ =	shalt  }
0x79: {  	_ =	shalt  }
0x7a: {  	_ =	shalt  }
0x7b: {  	_ =	shalt  }
0x7c: {  	_ =	shalt  }
0x7d: {  	_ =	shalt  }
0x7e: {  	_ =	shalt  }
0x7f: {  	_ =	shalt  }
0x80: {  	_ =	shalt  }
0x81: {  	_ =	shalt  }
0x82: {  	_ =	shalt  }
0x83: {  	_ =	shalt  }
0x84: {  	_ =	shalt  }
0x85: {  	_ =	shalt  }
0x86: {  	_ =	shalt  }
0x87: {  	_ =	shalt  }
.Lfunc_end0:
.L_simem_size_0:
called_computation_lowered:
.L_overlay_start_0:
0x88: {  	s2 =	sld [smem:$0x3FD9]  }
0x89: {  	s3 =	sld [smem:$0x3FFE];
	_ =	sdelay $0x1  }
0x8a: {  	s1 =	srdreg.scid  }
0x8b: {  	s0 =	sand.u32 $0x1, s1  }
0x8c: {  	s13 =	sshll.u32 s0, $0xA;
	s2 =	sadd.s32 s3, s2  }
0x8d: {  	s2 =	sadd.s32 s2, s13  }
0x8e: {  	[smem:$0x3FB3] =	sst s2  }
0x8f: {  	_ = 	snop  }
0x90: {  	s2 =	sld [smem:$0x3FD0];
	_ =	sdelay $0x2  }
0x91: {  	s14 =	simm.s32 $0xA;
	s4 =	simm.s32 $0x10  }
0x92: {  	[smem:s4], [sflag:s14] =	dma.local [hbm:s2], $0x1  }
0x93: {  	_ =	swait.eq [sflag:s14], $0x1  }
0x94: {  	[sflag:s14] =	ssyncset.done $0x0  }
0x95: {  	[sflag:s14] =	ssyncadd.s32 $0xFFFFFFFF  }
0x96: {  	s15 =	sld [smem:$0x10];
	(tm) =	ssettm $0x1  }
0x97: {  	s16 =	sld [smem:$0x3FFB];
	_ =	sdelay $0x3  }
0x98: {  	_ =	strace s16  }
0x99: {  	s3 =	sld [smem:$0x3FFC];
	_ =	sdelay $0x3  }
0x9a: {  	_ =	strace s3  }
0x9b: {  	s3 =	sld [smem:$0x3FFD];
	_ =	sdelay $0x3  }
0x9c: {  	_ =	strace s3  }
0x9d: {  	_ =	strace $0x8FFFFFFF  }
0x9e: {  	s17 =	sld [smem:$0x3FDB];
	_ =	sdelay $0x1  }
0x9f: {  	s18 =	simm.s32 $_scs_section_size  }
0xa0: {  	s5 =	simm.s32 $_size__tile_overlayer_lowered;
	s6 =	simm.s32 $_tile_overlayer_lowered  }
0xa1: {  	s21 =	simm.s32 $0x1BFF;
	s20 =	sshll.u32 s6, $0x1;
	s3 =	sadd.s32 s18, s17  }
0xa2: {  	s7 =	simm.s32 $0x0;
	s19 =	sshll.u32 s5, $0x1;
	s5 =	sadd.s32 s20, s3  }
0xa3: {  	[timem:s7], [sflag:s21] =	dma.local [hbm:s5], s19  }
0xa4: {  	_ =	swait.ge [sflag:s21], s19  }
0xa5: {  	s4 =	ssub.s32 $0x0, s19;
	[sflag:s21] =	ssyncset.done $0x0  }
0xa6: {  	[sflag:s21] =	ssyncadd.s32 s4;
	_ =	sdelay $0x1  }
0xa7: {  	s22 =	simm.s32 $0x1B8B  }
0xa8: {  	_ =	swait.ge [sflag:s22], $0x1  }
0xa9: {  	[sflag:s22] =	ssyncset.done $0x0  }
0xaa: {  	s23 =	sld [smem:$0x3FFE];
	[sflag:s22] =	ssyncadd.s32 $0xFFFFFFFF  }
0xab: {  	s25 =	simm.s32 $0x1B8E;
	s24 =	sld [smem:$0x0]  }
0xac: {  	s26 =	simm.s32 $execute0_lowered;
	[smem:$0x3FD2] =	sst s25  }
0xad: {  	s6 =	sshll.u32 s26, $0x1;
	_ =	strace $0x80000046;
	[dreg:$0x1] =	wrdreg $0xFFFFFFFF  }
0xae: {  	s28 =	simm.s32 $_size_execute0_lowered;
	s3 =	sadd.s32 s3, s6;
	[dreg:$0x0] =	wrdreg $0x0  }
0xaf: {  	s6 =	sshll.u32 s28, $0x1;
	[dreg:$0x2] =	wrdreg s3  }
0xb0: {  	[dreg:$0x3] =	wrdreg s6  }
0xb1: {  	[dreg:$0x4] =	wrdreg $0xC0  }
0xb2: {  	_ =	task [dreg:s7], $0x5FFFF  }
0xb3: {  	[dreg:$0x1] =	wrdreg $0xFFFFFFFF  }
0xb4: {  	[dreg:$0x0] =	wrdreg $0x60  }
0xb5: {  	[dreg:$0x2] =	wrdreg s23  }
0xb6: {  	[dreg:$0x3] =	wrdreg s15  }
0xb7: {  	[dreg:$0x4] =	wrdreg s1  }
0xb8: {  	[dreg:$0x5] =	wrdreg s24  }
0xb9: {  	[dreg:$0x6] =	wrdreg $0x9  }
0xba: {  	_ =	task.clear_ibuf [dreg:s7], $0x7FFFF;
	_ =	strace $0x90000046  }
0xbb: {  	s29 =	simm.s32 $0x9;
	_ =	strace $0x80000048  }
0xbc: {  	_ =	swait.ge [sflag:s29], $0x1  }
0xbd: {  	[sflag:s29] =	ssyncadd.s32 $0xFFFFFFFF  }
0xbe: {  	_ =	strace $0x90000048  }
0xbf: {  	_ =	sfence  }
0xc0: {  	s30 =	sld [smem:$0x0];
	_ =	sdelay $0x2  }
0xc1: {  	s31 =	sshll.u32 s1, $0xD;
	s1 =	sshrl.u32 s1, $0x2  }
0xc2: {  	s3 =	sand.u32 $0x4000, s31;
	s1 =	sadd.s32 s1, s30  }
0xc3: {  	s0 =	sor.u32 s3, s0;
	s1 =	sshll.u32 s1, $0x11  }
0xc4: {  	s0 =	sor.u32 s1, s0  }
0xc5: {  	s0 =	sadd.s32 $0x8F2B, s0  }
0xc6: {  	[sflag:s0] =	ssyncadd.remote.s32 $0x1  }
0xc7: {  	_ =	sfence.sel $0xFFFF  }
0xc8: {  	[dreg:$0x0] =	wrdreg $0xFFFFFFFF;
	(pc) =	sbr.abs _section_cstart, $3  }
0xc9: {  	[dreg:$0x1] =	wrdreg $0xFFFFFFFF  }
0xca: {  	_ =	task.clear_ibuf [dreg:s7], $0x2FFFF;
	_ =	strace $0x9FFFFFFF  }
0xcb: {  	(tm) =	ssettm $0x7FFFFFFF  }
tec
execute0_lowered:
.L_overlay_start_1:
0x0: {  	(tag) =	ssettag $0x1  }
0x1: {  	s2 =	rddreg [dreg:$0x0]  }
0x2: {  	s15 =	rddreg [dreg:$0x1]  }
0x3: {  	s3 =	rddreg [dreg:$0x2];
	_ =	strace $0x80000047;
	s0 =	simm.s32 $0x1  }
0x4: {  	v0 =	vimm.s32 $0x0;
	[sflag:s0] =	ssyncpa.u1 $0x0;
	s0 =	simm.s32 $0x108  }
0x5: {  	[tilespmem:s0+$0x70] =	vst v0  }
0x6: {  	[tilespmem:s0+$0x60] =	vst v0  }
0x7: {  	[tilespmem:s0+$0x50] =	vst v0  }
0x8: {  	[tilespmem:s0+$0x40] =	vst v0  }
0x9: {  	s1 =	sadd.s32 $0x85000, s2;
	[tilespmem:s0+$0x30] =	vst v0  }
0xa: {  	s6 =	sadd.s32 $0x5000, s2;
	s3 =	sand.u32 $0x1, s3;
	s14 =	sadd.s32 $0x4000, s2;
	[tilespmem:s0+$0x20] =	vst v0  }
0xb: {  	[dreg:$0x5] =	wrdreg s3;
	s16 =	sshll.u32 s3, $0xB;
	s3 =	simm.s32 $0x40;
	[tilespmem:s0+$0x10] =	vst v0  }
.LBB2_1:
0xc: {  	s3 =	sadd.s32 $0x40, s3;
	[tilespmem:s0+$0x0] =	vst v0;
	s0 =	sadd.s32 $0x80, s0  }
0xd: {  	p0 =	slt.u32 s3, $0x3C40;
	[tilespmem:s0+$0x70] =	vst v0  }
0xe: {  	[tilespmem:s0+$0x60] =	vst v0  }
.Ltmp0:
0xf: {  	[tilespmem:s0+$0x50] =	vst v0;
	(pc) =	sbr.rel @p0 .LBB2_1-.Ltmp0, $4  }
0x10: {  	[tilespmem:s0+$0x40] =	vst v0  }
0x11: {  	[tilespmem:s0+$0x30] =	vst v0  }
0x12: {  	[tilespmem:s0+$0x20] =	vst v0  }
0x13: {  	[tilespmem:s0+$0x10] =	vst v0  }
0x14: {  	s5 =	stileid.u32  }
0x15: {  	s2 =	smin.u32 s5, $0x5;
	s3 =	sshll.u32 s5, $0x2  }
0x16: {  	s2 =	sadd.s32 s2, s3  }
0x17: {  	p0 =	slt.u32 s5, $0x5;
	s7 =	smul.u32 $0xF0, s2;
	s2 =	simm.s32 $0x4B0  }
0x18: {  	s2 =	simm.s32 @!p0 $0x3C0  }
0x19: {  	s2 =	sadd.s32 s2, s7  }
0x1a: {  	s8 =	smin.u32 s2, $0x4000  }
0x1b: {  	s2 =	ssub.s32 s8, s7  }
0x1c: {  	p0 =	sgt.s32 s2, $0x0  }
0x1d: {  	s2 =	simm.s32 @!p0 $0x0  }
0x1e: {  	s30 =	simm.s32 $0x2;
	s10 =	simm.s32 $0x9;
	s29 =	smul.u32 $0x8889, s2  }
0x1f: {  	s4 =	simm.s32 $0xA;
	s11 =	simm.s32 $0xB;
	s12 =	simm.s32 $0x1  }
0x20: {  	s14 =	sadd.s32 s16, s14;
	s15 =	sadd.s32 s16, s15;
	s31 =	sshrl.u32 s29, $0x17  }
0x21: {  	s22 =	simm.s32 $0x0;
	s18 =	simm.s32 $0xC;
	s3 =	smul.u32 $0xF0, s31  }
.Ltmp1:
0x22: {  	[tilespmem:s0+$0x0] =	vst v0;
	v0 =	vimm.s32 $0xFFFFFFFF;
	s20 =	simm.s32 $0x0;
	[sflag:s30] =	ssyncpa.u1 $0x0;
	(pc) =	sbr.rel .LBB2_3-.Ltmp1, $4  }
0x23: {  	[tilespmem:$0xF208] =	vst v0;
	[sflag:s10] =	ssyncpa.u1 $0x0;
	p0 =	sne.s32 s2, s3;
	s2 =	simm.s32 $0x1  }
0x24: {  	s21 =	simm.s32 $0x0;
	[sflag:s4] =	ssyncpa.u1 $0x0;
	s2 =	simm.s32 @!p0 $0x0  }
0x25: {  	s16 =	sshll.u32 s5, $0x8;
	[sflag:s11] =	ssyncpa.u1 $0x0;
	s13 =	sadd.s32 s31, s2  }
0x26: {  	v0 =	vlaneseq.u32;
	s19 =	smov.u32 s7;
	p0 =	por $0x0, $0x0;
	s17 =	sadd.s32 $0x1, s13  }
.LBB2_18:
0x27: {  	s0 =	sshrl.u32 s31, $0x2  }
.LBB2_20:
0x28: {  	_ =	swait.ge [sflag:s18], s0  }
0x29: {  	s31 =	ssub.s32 $0x0, s0;
	v1 =	vmov s24;
	vm0 =	veq.s32 v0, $0x0;
	[sflag:s18] =	ssyncset.done $0x0  }
0x2a: {  	vm15 =	veq.s32 v0, $0x2;
	v1 =	vsel vm0, s30, v1;
	[sflag:s18] =	ssyncadd.s32 s31  }
0x2b: {  	v1 =	vsel vm15, s22, v1;
	[sflag:s18] =	ssyncpa.u1 $0x1  }
0x2c: {  	[tilespmem:$0xF208] =	vst v1  }
.LBB2_21:
0x2d: {  	s0 =	sadd.s32 $0xF0, s19  }
0x2e: {  	s2 =	smov.u32 s7;
	p1 =	slt.s32 s0, s8  }
0x2f: {  	s2 =	smov.u32 @p1 s0;
	p1 =	sne.s32 s21, s17  }
.Ltmp2:
0x30: {  	_ = 	snop;
	(pc) =	sbr.rel @!p1 .LBB2_22-.Ltmp2, $3  }
0x31: {  	_ =	sdelay $0x1  }
0x32: {  	s22 =	smov.u32 s20;
	s31 =	sadd.s32 $0x1, s21;
	s20 =	smov.u32 s19  }
0x33: {  	p0 =	por !p0, !p0;
	s21 =	smov.u32 s31;
	s19 =	smov.u32 s2  }
.LBB2_3:
0x34: {  	p1 =	sge.u32 s21, s13  }
0x35: {  	s0 =	smulhi.u32 @!p1 $0xAAAAAAAB, s21  }
0x36: {  	s2 =	smov.u32 s19;
	p2 =	sgt.s32 @!p1 s19, $0x3F10  }
0x37: {  	s3 =	sshra.s32 @!p1 s19, $0x1F;
	p2 =	por !p2, p1;
	s0 =	sshrl.u32 @!p1 s0, $0x1  }
0x38: {  	s3 =	sand.u32 @!p1 s3, s19;
	s2 =	simm.s32 @p2 $0x3F10;
	s0 =	smul.u32 @!p1 $0x3, s0  }
0x39: {  	s2 =	ssub.s32 @!p1 s2, s3  }
0x3a: {  	s2 =	sadd.s32 @!p1 $0xFFFFC0F0, s2;
	s0 =	ssub.s32 @!p1 s21, s0  }
0x3b: {  	s3 =	sshll.u32 @!p1 s2, $0x2;
	p2 =	sgt.s32 @!p1 s2, $0xEF;
	s0 =	smul.u32 @!p1 $0x3C0, s0  }
0x3c: {  	s4 =	sand.u32 @!p1 $0x7, s19;
	s2 =	ssub.s32 @!p1 $0x3C0, s3;
	p2 =	por !p2, p1  }
0x3d: {  	s3 =	sshrl.u32 @!p1 s19, $0x3;
	s2 =	sshrl.u32 @!p1 s2, $0x2;
	s0 =	sshrl.u32 @!p1 s0, $0x2  }
0x3e: {  	s3 =	sadd.s32 @!p1 s3, s14;
	s2 =	simm.s32 @!p2 $0x0;
	s0 =	sadd.s32 @!p1 $0x10248, s0  }
0x3f: {  	[tilespmem:s0], [sflag:$0xA] =	stream.linear.gather @!p1 [hbm4b:s3+s4], s2, $0x38;
	[tilespmem:$0x1F6F8] =	vst v63  }
0x40: {  	s0 =	sadd.s32 $0xFFFFFFFF, s21  }
0x41: {  	p1 =	sge.u32 s0, s13  }
0x42: {  	p2 =	sgt.s32 @!p1 s20, $0x3F10  }
0x43: {  	s2 =	smov.u32 s20;
	s3 =	sshra.s32 @!p1 s20, $0x1F;
	p2 =	por !p2, p1  }
0x44: {  	s3 =	sand.u32 @!p1 s3, s20;
	s2 =	simm.s32 @p2 $0x3F10  }
0x45: {  	s2 =	ssub.s32 @!p1 s2, s3  }
0x46: {  	s2 =	sadd.s32 @!p1 $0xFFFFC0F0, s2  }
0x47: {  	s4 =	sand.u32 @!p1 $0x1, s0;
	s3 =	sshll.u32 @!p1 s2, $0x2  }
0x48: {  	p2 =	sgt.s32 @!p1 s2, $0xEF;
	s2 =	ssub.s32 @!p1 $0x3C0, s3;
	s3 =	smulhi.u32 @!p1 $0xAAAAAAAB, s0  }
0x49: {  	s23 =	smul.u32 @!p1 $0x3C0, s4;
	p2 =	por !p2, p1;
	s2 =	sshrl.u32 @!p1 s2, $0x2  }
0x4a: {  	s5 =	simm.s32 @!p1 $0xA;
	s2 =	simm.s32 @!p2 $0x0;
	s3 =	sshrl.u32 @!p1 s3, $0x1  }
0x4b: {  	s23 =	sshrl.u32 @!p1 s23, $0x2;
	_ =	swait.ge @!p1 [sflag:s5], s2;
	s3 =	smul.u32 @!p1 $0x3, s3  }
0x4c: {  	s23 =	sadd.s32 @!p1 $0x10518, s23;
	s24 =	ssub.s32 @!p1 $0x0, s2;
	[sflag:s5] =	ssyncset.done @!p1 $0x0  }
0x4d: {  	[sflag:s5] =	ssyncadd.s32 @!p1 s24;
	s5 =	sshrl.u32 @!p1 s20, $0x3;
	s0 =	ssub.s32 @!p1 s0, s3  }
0x4e: {  	s24 =	sand.u32 @!p1 $0x7, s20;
	s5 =	sadd.s32 @!p1 s5, s15;
	s0 =	smul.u32 @!p1 $0x3C0, s0  }
0x4f: {  	[tilespmem:s23], [sflag:$0xB] =	stream.linear.gather @!p1 [hbm4b:s5+s24], s2, $0x38;
	[tilespmem:$0x1F6F8] =	vst v63  }
0x50: {  	s3 =	ssub.s32 @!p1 $0x4000, s20;
	s2 =	smul.u32 @!p1 $0x1E000, s4  }
0x51: {  	p2 =	slt.s32 @!p1 s3, $0xF0  }
0x52: {  	p2 =	por !p2, p1;
	s0 =	sshrl.u32 @!p1 s0, $0x2;
	s2 =	sshrl.u32 @!p1 s2, $0x2  }
0x53: {  	s3 =	simm.s32 @p2 $0xF0;
	s0 =	sadd.s32 @!p1 $0x10248, s0;
	s2 =	sor.u32 @!p1 $0x106F8, s2  }
0x54: {  	[tilespmem:s2], [sflag:$0x9] =	stream.indirect.gather @!p1 [hbm4b:s6+s3], $0x80, s0, s3, $0xb8;
	[tilespmem:$0x1F6F8] =	vst v63  }
0x55: {  	p1 =	slt.u32 s21, $0x2  }
.Ltmp3:
0x56: {  	_ = 	snop;
	(pc) =	sbr.rel @p1 .LBB2_21-.Ltmp3, $1  }
0x57: {  	_ =	sdelay $0x3  }
0x58: {  	p1 =	sgt.s32 s22, $0x3F10  }
0x59: {  	s0 =	smov.u32 s22;
	s2 =	sshra.s32 s22, $0x1F;
	s3 =	ssub.s32 $0x4000, s22  }
0x5a: {  	s0 =	simm.s32 @!p1 $0x3F10;
	s2 =	sand.u32 s2, s22;
	p1 =	slt.s32 s3, $0xF0  }
0x5b: {  	s0 =	ssub.s32 s0, s2;
	s3 =	simm.s32 @!p1 $0xF0  }
0x5c: {  	s0 =	sadd.s32 $0xFFFFC0F0, s0;
	s25 =	sshll.u32 s3, $0x7  }
0x5d: {  	s26 =	sshll.u32 s0, $0x2;
	s2 =	sand.u32 $0x3FFFFF80, s25  }
0x5e: {  	p1 =	sgt.s32 s0, $0xEF;
	s29 =	ssub.s32 $0x3C0, s26;
	_ =	swait.ge [sflag:s10], s2  }
0x5f: {  	s2 =	ssub.s32 $0x0, s2;
	[sflag:s10] =	ssyncset.done $0x0;
	s0 =	sshrl.u32 s29, $0x2  }
0x60: {  	[sflag:s10] =	ssyncadd.s32 s2;
	s0 =	simm.s32 @p1 $0x0  }
0x61: {  	_ =	swait.ge [sflag:s11], s0  }
0x62: {  	s0 =	ssub.s32 $0x0, s0;
	[sflag:s11] =	ssyncset.done $0x0  }
0x63: {  	[sflag:s11] =	ssyncadd.s32 s0  }
0x64: {  	v1 =	vld [tilespmem:$0xF208];
	_ =	sdelay $0x4  }
0x65: {  	(v2sf) =	vpush v1, $0x0  }
0x66: {  	(v2sf) =	vpush v1, $0x1  }
0x67: {  	(v2sf) =	vpush v1, $0x2;
	_ =	sdelay $0x3  }
0x68: {  	s0 =	sadd.s32 $0xF0, s22  }
0x69: {  	s2 =	ssub.s32 $0x8000, s22;
	p1 =	slt.s32 s8, s0  }
0x6a: {  	s0 =	smov.u32 @p1 s8;
	p1 =	sgt.s32 s2, $0x0  }
0x6b: {  	s26 =	ssub.s32 s0, s22;
	s2 =	simm.s32 @!p1 $0x0  }
0x6c: {  	p1 =	slt.s32 s2, s26  }
0x6d: {  	s26 =	smov.u32 @p1 s2  }
0x6e: {  	s25 =	simm.s32 $0x1;
	p1 =	slt.s32 s26, $0x1  }
.Ltmp4:
0x6f: {  	s25 =	simm.s32 @!p0 $0x0;
	(pc) =	sbr.rel @p1 .LBB2_8-.Ltmp4, $4  }
0x70: {  	s31 =	smul.u32 $0x3C0, s25  }
0x71: {  	s28 =	spop (v2sf)  }
0x72: {  	s0 =	sshrl.u32 s31, $0x2;
	s30 =	spop (v2sf)  }
0x73: {  	s23 =	sadd.s32 $0x10518, s0;
	s22 =	spop (v2sf)  }
0x74: {  	s0 =	smin.u32 s26, $0x10  }
0x75: {  	v1 =	vmov s0  }
0x76: {  	p2 =	sgt.s32 s26, $0x10;
	vm1 =	vgt.u32 v1, v0  }
.Ltmp5:
0x77: {  	_ = 	snop;
	(pc) =	sbr.rel @!p2 .LBB2_7-.Ltmp5, $2  }
0x78: {  	_ =	sdelay $0x2  }
0x79: {  	s4 =	simm.s32 $0x10;
	s24 =	sadd.s32 $0xFFFFFFF0, s26;
	s0 =	smov.u32 s23;
	vm0 =	vmmov vm1  }
.LBB2_6:
0x7a: {  	s2 =	smin.u32 s24, $0x10;
	s4 =	sadd.s32 $0x10, s4;
	v1 =	vld.msk [tilespmem:s0+$0x0 ss:$0x1], vm1  }
0x7b: {  	v2 =	vmov s2;
	p2 =	slt.s32 s4, s26  }
0x7c: {  	vm1 =	vgt.u32 v2, v0  }
.Ltmp6:
0x7d: {  	(pc) =	sbr.rel @p2 .LBB2_6-.Ltmp6, $3  }
0x7e: {  	_ =	sdelay $0x1  }
0x7f: {  	v1 =	vshll.u32 v1, $0x4  }
0x80: {  	s24 =	sadd.s32 $0xFFFFFFF0, s24;
	[tilespmem:s0+$0x0] =	vst.msk vm0, v1;
	s0 =	sadd.s32 $0x10, s0;
	vm0 =	vmmov vm1  }
.LBB2_7:
0x81: {  	_ =	sdelay $0x4  }
0x82: {  	v1 =	vld.msk [tilespmem:s0+$0x0 ss:$0x1], vm1;
	_ =	sdelay $0x4  }
0x83: {  	v1 =	vshll.u32 v1, $0x4  }
0x84: {  	[tilespmem:s0+$0x0] =	vst.msk vm0, v1  }
.LBB2_8:
0x85: {  	s0 =	sand.u32 $0x1, s21  }
0x86: {  	s2 =	smul.u32 $0x7800, s0  }
0x87: {  	p2 =	sne.s32 s30, $0xFFFFFFFF  }
0x88: {  	v1 =	vld @!p2 [tilespmem:s2+$0x106F8];
	_ =	sdelay $0x2  }
0x89: {  	s0 =	smul.u32 $0xF0, s0;
	_ =	sdelay $0x1  }
0x8a: {  	v2 =	vld.msk @!p2 [tilespmem:s0+$0x10518], $0x1;
	[tilespmem:$0x108] =	vst @!p2 v1  }
0x8b: {  	v1 =	vld @!p2 [tilespmem:s2+$0x10708];
	_ =	sdelay $0x4  }
0x8c: {  	[tilespmem:$0x118] =	vst @!p2 v1  }
0x8d: {  	v1 =	vld @!p2 [tilespmem:s2+$0x10718];
	_ =	sdelay $0x4  }
0x8e: {  	[tilespmem:$0x128] =	vst @!p2 v1  }
0x8f: {  	v1 =	vld @!p2 [tilespmem:s2+$0x10728];
	_ =	sdelay $0x4  }
0x90: {  	[tilespmem:$0x138] =	vst @!p2 v1  }
0x91: {  	v1 =	vld @!p2 [tilespmem:s2+$0x10738];
	_ =	sdelay $0x4  }
0x92: {  	[tilespmem:$0x148] =	vst @!p2 v1  }
0x93: {  	(v2sf) =	vpush @!p2 v2, $0x0;
	v1 =	vld @!p2 [tilespmem:s2+$0x10748];
	_ =	sdelay $0x4  }
0x94: {  	[tilespmem:$0x158] =	vst @!p2 v1  }
0x95: {  	v1 =	vld @!p2 [tilespmem:s2+$0x10758];
	_ =	sdelay $0x4  }
0x96: {  	[tilespmem:$0x168] =	vst @!p2 v1  }
0x97: {  	v1 =	vld @!p2 [tilespmem:s2+$0x10768]  }
.Ltmp7:
0x98: {  	_ = 	snop;
	(pc) =	sbr.rel @p1 .LBB2_19-.Ltmp7, $4  }
0x99: {  	_ = 	snop  }
0x9a: {  	s29 =	spop @!p2 (v2sf)  }
0x9b: {  	s22 =	simm.s32 @!p2 $0x0;
	s24 =	smov.u32 s29  }
0x9c: {  	s29 =	smov.u32 @p2 s28;
	s24 =	smov.u32 @p2 s30;
	[tilespmem:$0x178] =	vst @!p2 v1;
	[sflag:s18] =	ssyncpa.u1 $0x0  }
0x9d: {  	v1 =	vld.msk [tilespmem:s23+$0x0], $0x1;
	_ =	sdelay $0x4  }
0x9e: {  	(v2sf) =	vpush v1, $0x0;
	_ =	sdelay $0xe  }
0x9f: {  	s2 =	smul.u32 $0x1E000, s25;
	s0 =	spop (v2sf)  }
0xa0: {  	s26 =	ssub.s32 $0x0, s26;
	p1 =	seq.s32 s29, s0  }
0xa1: {  	s30 =	sadd.s32 $0x1, s26;
	s2 =	sshrl.u32 s2, $0x2;
	p2 =	sgt.s32 @!p1 s29, $0x0  }
0xa2: {  	s25 =	sor.u32 $0x10738, s2;
	s2 =	smov.u32 s29;
	p2 =	por !p2, p1  }
0xa3: {  	s2 =	simm.s32 @p2 $0x0;
	p2 =	seq.s32 s30, $0x0  }
.Ltmp8:
0xa4: {  	_ = 	snop;
	(pc) =	sbr.rel @p2 .LBB2_11-.Ltmp8, $4  }
0xa5: {  	_ = 	snop  }
0xa6: {  	s28 =	simm.s32 $0x0;
	s31 =	sadd.s32 $0x1, s23;
	s2 =	smin.u32 @!p1 s2, $0x3FF0  }
0xa7: {  	s4 =	simm.s32 @!p1 $0x1;
	s5 =	simm.s32 @!p1 $0x7988;
	s3 =	sand.u32 @!p1 $0x3FF8, s2  }
0xa8: {  	s4 =	smov.u32 @p1 s28;
	s2 =	sand.u32 @!p1 $0x7, s2;
	s3 =	sadd.s32 @!p1 s1, s3  }
.LBB2_10:
0xa9: {  	s9 =	smov.u32 s4  }
0xaa: {  	[tilespmem:s5], [sflag:$0x2] =	stream.linear.gather @!p1 [hbm4b:s3+s2], $0x80, $0x38;
	[tilespmem:$0x1F6F8] =	vst v63  }
0xab: {  	s30 =	sadd.s32 $0x1, s30;
	s2 =	smov.u32 s0;
	v1 =	vld.msk [tilespmem:s31+$0x0], $0x1  }
0xac: {  	p2 =	seq.s32 s30, $0x0;
	_ =	sdelay $0x3  }
0xad: {  	(v2sf) =	vpush v1, $0x0;
	_ =	sdelay $0xe  }
0xae: {  	s0 =	spop (v2sf)  }
0xaf: {  	p1 =	seq.s32 s2, s0  }
0xb0: {  	p3 =	sgt.s32 @!p1 s2, $0x0;
	s3 =	sshll.u32 @!p1 s4, $0x9;
	s4 =	sadd.s32 @!p1 $0x1, s4  }
.Ltmp9:
0xb1: {  	p3 =	por !p3, p1;
	s3 =	sshra.s32 @!p1 s3, $0x2;
	(pc) =	sbr.rel @!p2 .LBB2_10-.Ltmp9, $4  }
0xb2: {  	s4 =	smov.u32 @p1 s9;
	s2 =	simm.s32 @p3 $0x0;
	s5 =	sadd.s32 @!p1 $0x7988, s3  }
0xb3: {  	s2 =	smin.u32 @!p1 s2, $0x3FF0  }
0xb4: {  	s3 =	sand.u32 @!p1 $0x3FF8, s2;
	s2 =	sand.u32 @!p1 $0x7, s2  }
0xb5: {  	s31 =	sadd.s32 $0x1, s31;
	s3 =	sadd.s32 @!p1 s1, s3  }
.LBB2_11:
0xb6: {  	[tilespmem:s5], [sflag:$0x2] =	stream.linear.gather @!p1 [hbm4b:s3+s2], $0x80, $0x38;
	[tilespmem:$0x1F6F8] =	vst v63  }
.Ltmp10:
0xb7: {  	s0 =	sshll.u32 s4, $0x7;
	(pc) =	sbr.rel .LBB2_12-.Ltmp10, $4  }
0xb8: {  	s30 =	simm.s32 $0x2;
	s0 =	sand.u32 $0x3FFFFF80, s0  }
0xb9: {  	_ =	swait.ge [sflag:s30], s0  }
0xba: {  	s0 =	ssub.s32 $0x0, s0;
	[sflag:s30] =	ssyncset.done $0x0  }
0xbb: {  	s31 =	simm.s32 $0x0;
	[sflag:s30] =	ssyncadd.s32 s0  }
.LBB2_13:
0xbc: {  	s0 =	sshra.s32 s0, $0x2;
	v1 =	vld [tilespmem:s25+$0xFFFFFFC0]  }
0xbd: {  	v2 =	vld [tilespmem:s0+$0x108];
	_ =	sdelay $0x4  }
0xbe: {  	v1 =	vmax.f32 v1, v2  }
0xbf: {  	v2 =	vld [tilespmem:s0+$0x118];
	[tilespmem:s0+$0x108] =	vst v1  }
0xc0: {  	v1 =	vld [tilespmem:s25+$0xFFFFFFD0];
	_ =	sdelay $0x4  }
0xc1: {  	v1 =	vmax.f32 v1, v2  }
0xc2: {  	v2 =	vld [tilespmem:s0+$0x128];
	[tilespmem:s0+$0x118] =	vst v1  }
0xc3: {  	v1 =	vld [tilespmem:s25+$0xFFFFFFE0];
	_ =	sdelay $0x4  }
0xc4: {  	v1 =	vmax.f32 v1, v2  }
0xc5: {  	v2 =	vld [tilespmem:s0+$0x138];
	[tilespmem:s0+$0x128] =	vst v1  }
0xc6: {  	v1 =	vld [tilespmem:s25+$0xFFFFFFF0];
	_ =	sdelay $0x4  }
0xc7: {  	v1 =	vmax.f32 v1, v2  }
0xc8: {  	v2 =	vld [tilespmem:s0+$0x148];
	[tilespmem:s0+$0x138] =	vst v1  }
0xc9: {  	v1 =	vld [tilespmem:s25+$0x0];
	_ =	sdelay $0x4  }
0xca: {  	v1 =	vmax.f32 v1, v2  }
0xcb: {  	v2 =	vld [tilespmem:s0+$0x158];
	[tilespmem:s0+$0x148] =	vst v1  }
0xcc: {  	v1 =	vld [tilespmem:s25+$0x10];
	_ =	sdelay $0x4  }
0xcd: {  	v1 =	vmax.f32 v1, v2  }
0xce: {  	v2 =	vld [tilespmem:s0+$0x168];
	[tilespmem:s0+$0x158] =	vst v1  }
0xcf: {  	v1 =	vld [tilespmem:s25+$0x20];
	_ =	sdelay $0x4  }
0xd0: {  	v1 =	vmax.f32 v1, v2  }
0xd1: {  	v2 =	vld [tilespmem:s0+$0x178];
	[tilespmem:s0+$0x168] =	vst v1  }
0xd2: {  	v1 =	vld [tilespmem:s25+$0x30];
	_ =	sdelay $0x4  }
0xd3: {  	v1 =	vmax.f32 v1, v2  }
0xd4: {  	[tilespmem:s0+$0x178] =	vst v1  }
.LBB2_17:
0xd5: {  	s26 =	sadd.s32 $0x1, s26  }
0xd6: {  	p1 =	seq.s32 s26, $0x0  }
.Ltmp11:
0xd7: {  	_ = 	snop;
	(pc) =	sbr.rel @p1 .LBB2_18-.Ltmp11, $2  }
0xd8: {  	_ =	sdelay $0x2  }
0xd9: {  	s23 =	sadd.s32 $0x1, s23;
	s25 =	sadd.s32 $0x80, s25;
	s29 =	smov.u32 s30  }
.LBB2_12:
0xda: {  	v1 =	vld.msk [tilespmem:s23+$0x0], $0x1;
	_ =	sdelay $0x4  }
0xdb: {  	(v2sf) =	vpush v1, $0x0;
	_ =	sdelay $0xe  }
0xdc: {  	s30 =	spop (v2sf)  }
0xdd: {  	p1 =	sne.s32 s29, s30  }
.Ltmp12:
0xde: {  	_ = 	snop;
	(pc) =	sbr.rel @!p1 .LBB2_13-.Ltmp12, $2  }
0xdf: {  	_ =	sdelay $0x2  }
0xe0: {  	s0 =	sshll.u32 s22, $0x9  }
0xe1: {  	p1 =	seq.s32 s29, s24  }
.Ltmp13:
0xe2: {  	_ = 	snop;
	(pc) =	sbr.rel @!p1 .LBB2_15-.Ltmp13, $1  }
0xe3: {  	_ =	sdelay $0x3  }
0xe4: {  	s0 =	sshra.s32 s0, $0x2  }
.Ltmp14:
0xe5: {  	s0 =	sadd.s32 $0x108, s0;
	(pc) =	sbr.rel .LBB2_16-.Ltmp14, $4  }
0xe6: {  	[spmem:s16] =	stream.linear.scatter [tilespmem:s0], [sflag:$0x1], $0x80, $0x38;
	[tilespmem:$0x1F6F8] =	vst v63  }
0xe7: {  	_ =	swait.ge [sflag:s12], $0x80  }
0xe8: {  	[sflag:s12] =	ssyncset.done $0x0  }
0xe9: {  	[sflag:s12] =	ssyncadd.s32 $0xFFFFFF80  }
.LBB2_15:
0xea: {  	s2 =	sshll.u32 s28, $0x9;
	s0 =	sshra.s32 s0, $0x2  }
0xeb: {  	s2 =	sshra.s32 s2, $0x2;
	v2 =	vld [tilespmem:s0+$0x108]  }
0xec: {  	v1 =	vld [tilespmem:s2+$0x7988];
	_ =	sdelay $0x4  }
0xed: {  	v1 =	vmax.f32 v1, v2  }
0xee: {  	v2 =	vld [tilespmem:s0+$0x118];
	[tilespmem:s0+$0x108] =	vst v1  }
0xef: {  	v1 =	vld [tilespmem:s2+$0x7998];
	_ =	sdelay $0x4  }
0xf0: {  	v1 =	vmax.f32 v1, v2  }
0xf1: {  	v2 =	vld [tilespmem:s0+$0x128];
	[tilespmem:s0+$0x118] =	vst v1  }
0xf2: {  	v1 =	vld [tilespmem:s2+$0x79A8];
	_ =	sdelay $0x4  }
0xf3: {  	v1 =	vmax.f32 v1, v2  }
0xf4: {  	v2 =	vld [tilespmem:s0+$0x138];
	[tilespmem:s0+$0x128] =	vst v1  }
0xf5: {  	v1 =	vld [tilespmem:s2+$0x79B8];
	_ =	sdelay $0x4  }
0xf6: {  	v1 =	vmax.f32 v1, v2  }
0xf7: {  	v2 =	vld [tilespmem:s0+$0x148];
	[tilespmem:s0+$0x138] =	vst v1  }
0xf8: {  	v1 =	vld [tilespmem:s2+$0x79C8];
	_ =	sdelay $0x4  }
0xf9: {  	v1 =	vmax.f32 v1, v2  }
0xfa: {  	v2 =	vld [tilespmem:s0+$0x158];
	[tilespmem:s0+$0x148] =	vst v1  }
0xfb: {  	v1 =	vld [tilespmem:s2+$0x79D8];
	_ =	sdelay $0x4  }
0xfc: {  	v1 =	vmax.f32 v1, v2  }
0xfd: {  	v2 =	vld [tilespmem:s0+$0x168];
	[tilespmem:s0+$0x158] =	vst v1  }
0xfe: {  	v1 =	vld [tilespmem:s2+$0x79E8];
	_ =	sdelay $0x4  }
0xff: {  	v1 =	vmax.f32 v1, v2  }
0x100: {  	v2 =	vld [tilespmem:s0+$0x178];
	[tilespmem:s0+$0x168] =	vst v1  }
0x101: {  	v1 =	vld [tilespmem:s2+$0x79F8];
	_ =	sdelay $0x3  }
0x102: {  	p1 =	sgt.u32 s29, $0x3FF0  }
0x103: {  	s2 =	sand.u32 @!p1 $0x3FF8, s29;
	v1 =	vmax.f32 v1, v2  }
0x104: {  	s3 =	sadd.s32 $0x108, s0;
	[tilespmem:s0+$0x178] =	vst v1;
	s0 =	sadd.s32 @!p1 s1, s2;
	s2 =	sand.u32 @!p1 $0x7, s29  }
0x105: {  	[hbm4b:s0+s2] =	stream.linear.scatter @!p1 [tilespmem:s3], [sflag:$0xC], $0x80, $0x38;
	[tilespmem:$0x1F6F8] =	vst v63  }
0x106: {  	s0 =	simm.s32 $0x0  }
0x107: {  	s0 =	simm.s32 @!p1 $0x200  }
0x108: {  	s31 =	sadd.s32 s0, s31  }
.LBB2_16:
0x109: {  	s0 =	sadd.s32 $0x1, s22  }
0x10a: {  	s2 =	smulhi.u32 $0x88888889, s0;
	_ =	sdelay $0x1  }
0x10b: {  	v1 =	vld [tilespmem:s25+$0xFFFFFFC0];
	s2 =	sshrl.u32 s2, $0x7  }
0x10c: {  	s2 =	smul.u32 $0xF0, s2;
	_ =	sdelay $0x1  }
0x10d: {  	s22 =	ssub.s32 s0, s2  }
0x10e: {  	s0 =	sshll.u32 s22, $0x7  }
0x10f: {  	[tilespmem:s0+$0x108] =	vst v1  }
0x110: {  	v1 =	vld [tilespmem:s25+$0xFFFFFFD0];
	_ =	sdelay $0x4  }
0x111: {  	[tilespmem:s0+$0x118] =	vst v1  }
0x112: {  	v1 =	vld [tilespmem:s25+$0xFFFFFFE0];
	_ =	sdelay $0x4  }
0x113: {  	[tilespmem:s0+$0x128] =	vst v1  }
0x114: {  	v1 =	vld [tilespmem:s25+$0xFFFFFFF0];
	_ =	sdelay $0x4  }
0x115: {  	[tilespmem:s0+$0x138] =	vst v1  }
0x116: {  	v1 =	vld [tilespmem:s25+$0x0];
	_ =	sdelay $0x4  }
0x117: {  	[tilespmem:s0+$0x148] =	vst v1  }
0x118: {  	v1 =	vld [tilespmem:s25+$0x10];
	_ =	sdelay $0x4  }
0x119: {  	[tilespmem:s0+$0x158] =	vst v1  }
0x11a: {  	v1 =	vld [tilespmem:s25+$0x20];
	_ =	sdelay $0x4  }
0x11b: {  	[tilespmem:s0+$0x168] =	vst v1  }
0x11c: {  	v1 =	vld [tilespmem:s25+$0x30]  }
.Ltmp15:
0x11d: {  	_ = 	snop;
	(pc) =	sbr.rel .LBB2_17-.Ltmp15, $2  }
0x11e: {  	_ =	sdelay $0x2  }
0x11f: {  	s28 =	sadd.s32 $0x1, s28;
	[tilespmem:s0+$0x178] =	vst v1  }
.LBB2_19:
.Ltmp16:
0x120: {  	(pc) =	sbr.rel .LBB2_20-.Ltmp16, $4  }
0x121: {  	_ = 	snop  }
0x122: {  	s0 =	simm.s32 $0x2  }
0x123: {  	_ =	swait.ge [sflag:s0], $0x0  }
0x124: {  	s30 =	smov.u32 s29;
	[sflag:s0] =	ssyncset.done $0x0;
	s0 =	simm.s32 $0x0  }
.LBB2_22:
0x125: {  	_ =	sfence.sel $0x180000  }
0x126: {  	s0 =	simm.s32 $0x9;
	[bflag:$0x0] =	sbarrier.arrive $0xFFFF  }
0x127: {  	s24 =	simm.s32 $0xA;
	[sflag:s0] =	ssyncpa.u1 $0x1  }
0x128: {  	s25 =	simm.s32 $0xB;
	[sflag:s24] =	ssyncpa.u1 $0x1  }
0x129: {  	s26 =	simm.s32 $0x2;
	[sflag:s25] =	ssyncpa.u1 $0x1  }
0x12a: {  	[sflag:s26] =	ssyncpa.u1 $0x1  }
0x12b: {  	v0 =	vld [tilespmem:$0xF208];
	_ =	sdelay $0x4  }
0x12c: {  	(v2sf) =	vpush v0, $0x0  }
0x12d: {  	(v2sf) =	vpush v0, $0x1;
	_ =	sdelay $0x1  }
0x12e: {  	(v2sf) =	vpush v0, $0x2;
	_ =	sdelay $0xb  }
0x12f: {  	s0 =	spop (v2sf)  }
0x130: {  	s2 =	spop (v2sf)  }
0x131: {  	s3 =	smov.u32 s0;
	p0 =	sne.s32 s0, s2  }
0x132: {  	s4 =	spop (v2sf);
	s3 =	simm.s32 @!p0 $0xFFFFFFFF  }
0x133: {  	v2 =	vimm.s32 $0x1;
	v3 =	vlaneseq.u32;
	p0 =	seq.s32 s4, $0xFFFFFFFF;
	v1 =	vmov s3  }
0x134: {  	s16 =	stileid.u32;
	v0 =	vperm.xlane v0, v2;
	p1 =	sne.s32 @!p0 s0, s2;
	v1 =	vperm.xlane v1, v3  }
0x135: {  	vm0 =	vcmask $0x3F04;
	s6 =	simm.s32 $0xF208;
	s0 =	simm.s32 @!p0 $0x1;
	p1 =	por !p1, p0  }
0x136: {  	s3 =	sshll.u32 s16, $0x1;
	s2 =	sshll.u32 @!p0 s4, $0x9;
	s0 =	simm.s32 @p1 $0x0;
	v0 =	vsel vm0, v1, v0  }
0x137: {  	s5 =	sor.u32 $0x1000, s3;
	s2 =	sshra.s32 @!p0 s2, $0x2;
	s0 =	sor.u32 @!p0 s0, s3;
	[tilespmem:$0xF208] =	vst v0  }
0x138: {  	[spmem:s5] =	stream.linear.scatter [tilespmem:s6], [sflag:$0x1], $0x2, $0x38;
	[tilespmem:$0x1F6F8] =	vst v63  }
0x139: {  	s2 =	sadd.s32 @!p0 $0x108, s2;
	s0 =	sshll.u32 @!p0 s0, $0x7  }
0x13a: {  	[spmem:s0] =	stream.linear.scatter @!p0 [tilespmem:s2], [sflag:$0x1], $0x80, $0x38;
	[tilespmem:$0x1F6F8] =	vst v63  }
0x13b: {  	s0 =	simm.s32 @!p0 $0x82  }
0x13c: {  	s28 =	simm.s32 $0x1;
	s0 =	simm.s32 @p0 $0x2  }
0x13d: {  	_ =	swait.ge [sflag:s28], s0  }
0x13e: {  	s0 =	ssub.s32 $0x0, s0;
	[sflag:s28] =	ssyncset.done $0x0  }
0x13f: {  	p0 =	sne.s32 s16, $0x0;
	[sflag:s28] =	ssyncadd.s32 s0  }
.Ltmp17:
0x140: {  	_ =	sfence.stream.spmem;
	(pc) =	sbr.rel @p0 .LBB2_39-.Ltmp17, $4  }
0x141: {  	s29 =	simm.s32 $0x3;
	[bflag:$0x0] =	sbarrier.arrive $0xFFFF  }
0x142: {  	s30 =	simm.s32 $0x4;
	[sflag:s29] =	ssyncpa.u1 $0x1  }
0x143: {  	s31 =	simm.s32 $0x3C;
	[sflag:s30] =	ssyncpa.u1 $0x1  }
0x144: {  	s15 =	rddreg [dreg:$0x5];
	[sflag:s31] =	ssyncpa.u1 $0x1  }
0x145: {  	_ =	sfence.stream.spmem;
	s0 =	simm.s32 $0x5  }
0x146: {  	s2 =	simm.s32 $0x1000;
	s3 =	simm.s32 $0xF218;
	[sflag:s0] =	ssyncpa.u1 $0x0  }
0x147: {  	[tilespmem:s3], [sflag:$0x5] =	stream.linear.gather [spmem:s2], $0x20, $0x38;
	[tilespmem:$0x1F6F8] =	vst v63  }
0x148: {  	s26 =	simm.s32 $0x0;
	s28 =	simm.s32 $0xF238  }
0x149: {  	[tilespmem:s28], [sflag:$0x5] =	stream.linear.gather [spmem:s26], $0x1000, $0x38;
	[tilespmem:$0x1F6F8] =	vst v63  }
0x14a: {  	_ =	swait.ge [sflag:s0], $0x1020  }
0x14b: {  	[sflag:s0] =	ssyncset.done $0x0  }
0x14c: {  	s29 =	simm.s32 $0x0;
	[sflag:s0] =	ssyncadd.s32 $0xFFFFEFE0  }
0x14d: {  	v0 =	vld.msk [tilespmem:s29+$0xF218], $0x1;
	_ =	sdelay $0x1  }
0x14e: {  	s30 =	simm.s32 $0x1  }
0x14f: {  	v1 =	vld.msk [tilespmem:s30+$0xF218], $0x1;
	_ =	sdelay $0x1  }
0x150: {  	(v2sf) =	vpush v0, $0x0;
	_ =	sdelay $0x2  }
0x151: {  	(v2sf) =	vpush v1, $0x0;
	_ =	sdelay $0x2  }
0x152: {  	s31 =	simm.s32 $0x2  }
0x153: {  	v0 =	vld.msk [tilespmem:s31+$0xF218], $0x1;
	_ =	sdelay $0x2  }
0x154: {  	s4 =	simm.s32 $0xFFFFFFFF;
	s5 =	simm.s32 $0xFFFFFFFF;
	s0 =	simm.s32 $0xC  }
.LBB2_24:
0x155: {  	s2 =	smov.u32 s5;
	s3 =	smov.u32 s4  }
0x156: {  	s4 =	sshra.s32 s0, $0x2;
	p1 =	sne.s32 s0, $0x7C;
	s0 =	sadd.s32 $0x4, s0;
	(v2sf) =	vpush v0, $0x0  }
0x157: {  	v0 =	vld.msk [tilespmem:s4+$0xF218], $0x1  }
.Ltmp18:
0x158: {  	(pc) =	sbr.rel @p1 .LBB2_24-.Ltmp18, $4  }
0x159: {  	s5 =	spop (v2sf)  }
0x15a: {  	p2 =	sne.s32 s3, $0xFFFFFFFF;
	s4 =	smov.u32 s5  }
0x15b: {  	p3 =	seq.s32 s5, $0xFFFFFFFF;
	s4 =	smov.u32 @p2 s3  }
0x15c: {  	s5 =	smov.u32 @p3 s2;
	s4 =	smov.u32 @p3 s3  }
0x15d: {  	(v2sf) =	vpush v0, $0x0;
	_ =	sdelay $0x8  }
0x15e: {  	s0 =	spop (v2sf)  }
0x15f: {  	p1 =	sne.s32 s4, $0xFFFFFFFF;
	s2 =	smov.u32 s0  }
0x160: {  	s9 =	simm.s32 $0x6;
	p2 =	seq.s32 s0, $0xFFFFFFFF;
	s2 =	smov.u32 @p1 s4  }
0x161: {  	s6 =	simm.s32 $0x0;
	s2 =	smov.u32 @p2 s4;
	s3 =	spop (v2sf)  }
0x162: {  	s0 =	smov.u32 @p2 s5;
	p1 =	sne.s32 s2, $0xFFFFFFFF;
	s4 =	smov.u32 s3  }
.Ltmp19:
0x163: {  	p2 =	seq.s32 s3, $0xFFFFFFFF;
	s4 =	smov.u32 @p1 s2;
	(pc) =	sbr.rel .LBB2_26-.Ltmp19, $4  }
0x164: {  	s10 =	simm.s32 $0xF188;
	s4 =	smov.u32 @p2 s2;
	s7 =	spop (v2sf)  }
0x165: {  	s11 =	simm.s32 $0x0;
	p1 =	sne.s32 s4, $0xFFFFFFFF;
	s8 =	smov.u32 s7  }
0x166: {  	s3 =	smov.u32 @p2 s0;
	p2 =	seq.s32 s7, $0xFFFFFFFF;
	s8 =	smov.u32 @p1 s4  }
0x167: {  	[sflag:s9] =	ssyncpa.u1 $0x0;
	s7 =	smov.u32 @p2 s3;
	s8 =	smov.u32 @p2 s4  }
.LBB2_32:
0x168: {  	p1 =	sgt.u32 s12, $0x3FF0  }
0x169: {  	p2 =	seq.s32 @!p1 s12, s8  }
0x16a: {  	p1 =	por p1, p2  }
0x16b: {  	p2 =	sne.s32 @!p1 s12, s7  }
0x16c: {  	p1 =	por p1, !p2  }
0x16d: {  	s0 =	sshll.u32 @p1 s11, $0x9  }
0x16e: {  	s0 =	sand.u32 @!p1 $0x3FF8, s12  }
0x16f: {  	s2 =	sand.u32 @!p1 $0x7, s12;
	s0 =	sadd.s32 @!p1 s1, s0  }
0x170: {  	[tilespmem:s10], [sflag:$0x6] =	stream.linear.gather @!p1 [hbm4b:s0+s2], $0x80, $0x38;
	[tilespmem:$0x1F6F8] =	vst v63  }
0x171: {  	_ =	swait.ge @!p1 [sflag:s9], $0x80  }
0x172: {  	[sflag:s9] =	ssyncset.done @!p1 $0x0  }
0x173: {  	s0 =	sshll.u32 @!p1 s11, $0x9;
	[sflag:s9] =	ssyncadd.s32 @!p1 $0xFFFFFF80  }
0x174: {  	s2 =	sshrl.u32 @!p1 s0, $0x2;
	v1 =	vld @!p1 [tilespmem:$0xF188]  }
0x175: {  	v2 =	vld @!p1 [tilespmem:s2+$0xF238];
	_ =	sdelay $0x4  }
0x176: {  	v1 =	vmax.f32 @!p1 v1, v2  }
0x177: {  	v2 =	vld @!p1 [tilespmem:s2+$0xF248];
	[tilespmem:s2+$0xF238] =	vst @!p1 v1  }
0x178: {  	v1 =	vld @!p1 [tilespmem:$0xF198];
	_ =	sdelay $0x4  }
0x179: {  	v1 =	vmax.f32 @!p1 v1, v2  }
0x17a: {  	v2 =	vld @!p1 [tilespmem:s2+$0xF258];
	[tilespmem:s2+$0xF248] =	vst @!p1 v1  }
0x17b: {  	v1 =	vld @!p1 [tilespmem:$0xF1A8];
	_ =	sdelay $0x4  }
0x17c: {  	v1 =	vmax.f32 @!p1 v1, v2  }
0x17d: {  	v2 =	vld @!p1 [tilespmem:s2+$0xF268];
	[tilespmem:s2+$0xF258] =	vst @!p1 v1  }
0x17e: {  	v1 =	vld @!p1 [tilespmem:$0xF1B8];
	_ =	sdelay $0x4  }
0x17f: {  	v1 =	vmax.f32 @!p1 v1, v2  }
0x180: {  	v2 =	vld @!p1 [tilespmem:s2+$0xF278];
	[tilespmem:s2+$0xF268] =	vst @!p1 v1  }
0x181: {  	v1 =	vld @!p1 [tilespmem:$0xF1C8];
	_ =	sdelay $0x4  }
0x182: {  	v1 =	vmax.f32 @!p1 v1, v2  }
0x183: {  	v2 =	vld @!p1 [tilespmem:s2+$0xF288];
	[tilespmem:s2+$0xF278] =	vst @!p1 v1  }
0x184: {  	v1 =	vld @!p1 [tilespmem:$0xF1D8];
	_ =	sdelay $0x4  }
0x185: {  	v1 =	vmax.f32 @!p1 v1, v2  }
0x186: {  	v2 =	vld @!p1 [tilespmem:s2+$0xF298];
	[tilespmem:s2+$0xF288] =	vst @!p1 v1  }
0x187: {  	v1 =	vld @!p1 [tilespmem:$0xF1E8];
	_ =	sdelay $0x4  }
0x188: {  	v1 =	vmax.f32 @!p1 v1, v2  }
0x189: {  	v2 =	vld @!p1 [tilespmem:s2+$0xF2A8];
	[tilespmem:s2+$0xF298] =	vst @!p1 v1  }
0x18a: {  	v1 =	vld @!p1 [tilespmem:$0xF1F8];
	_ =	sdelay $0x4  }
0x18b: {  	v1 =	vmax.f32 @!p1 v1, v2  }
0x18c: {  	[tilespmem:s2+$0xF2A8] =	vst @!p1 v1  }
0x18d: {  	s0 =	sshrl.u32 s0, $0x2;
	[tilespmem:s6+$0xF218] =	vst.msk $0x1, v0  }
0x18e: {  	v0 =	vld [tilespmem:s0+$0xF238];
	_ =	sdelay $0x2  }
0x18f: {  	s31 =	sshll.u32 s6, $0x9  }
0x190: {  	s2 =	sshra.s32 s31, $0x2  }
0x191: {  	[tilespmem:s2+$0xF238] =	vst v0  }
0x192: {  	v0 =	vld [tilespmem:s0+$0xF248];
	_ =	sdelay $0x4  }
0x193: {  	[tilespmem:s2+$0xF248] =	vst v0  }
0x194: {  	v0 =	vld [tilespmem:s0+$0xF258];
	_ =	sdelay $0x4  }
0x195: {  	[tilespmem:s2+$0xF258] =	vst v0  }
0x196: {  	v0 =	vld [tilespmem:s0+$0xF268];
	_ =	sdelay $0x4  }
0x197: {  	[tilespmem:s2+$0xF268] =	vst v0  }
0x198: {  	v0 =	vld [tilespmem:s0+$0xF278];
	_ =	sdelay $0x4  }
0x199: {  	[tilespmem:s2+$0xF278] =	vst v0  }
0x19a: {  	v0 =	vld [tilespmem:s0+$0xF288];
	_ =	sdelay $0x4  }
0x19b: {  	[tilespmem:s2+$0xF288] =	vst v0  }
0x19c: {  	v0 =	vld [tilespmem:s0+$0xF298];
	_ =	sdelay $0x4  }
0x19d: {  	[tilespmem:s2+$0xF298] =	vst v0  }
0x19e: {  	v0 =	vld [tilespmem:s0+$0xF2A8];
	_ =	sdelay $0x4  }
0x19f: {  	s6 =	sadd.s32 $0x1, s6;
	[tilespmem:s2+$0xF2A8] =	vst v0  }
.LBB2_33:
0x1a0: {  	s11 =	sadd.s32 $0x1, s11  }
0x1a1: {  	p1 =	sne.s32 s11, $0x20  }
.Ltmp20:
0x1a2: {  	_ = 	snop;
	(pc) =	sbr.rel @!p1 .LBB2_34-.Ltmp20, $1  }
0x1a3: {  	_ =	sdelay $0x3  }
.LBB2_26:
0x1a4: {  	v0 =	vld.msk [tilespmem:s11+$0xF218], $0x1;
	_ =	sdelay $0x4  }
0x1a5: {  	(v2sf) =	vpush v0, $0x0;
	_ =	sdelay $0xe  }
0x1a6: {  	s12 =	spop (v2sf)  }
0x1a7: {  	p1 =	seq.s32 s12, $0xFFFFFFFF  }
.Ltmp21:
0x1a8: {  	_ = 	snop;
	(pc) =	sbr.rel @p1 .LBB2_33-.Ltmp21, $1  }
0x1a9: {  	_ =	sdelay $0x3  }
0x1aa: {  	p1 =	slt.s32 s6, $0x1  }
.Ltmp22:
0x1ab: {  	_ = 	snop;
	(pc) =	sbr.rel @p1 .LBB2_32-.Ltmp22, $1  }
0x1ac: {  	_ =	sdelay $0x3  }
0x1ad: {  	s13 =	simm.s32 $0xF218;
	p1 =	por $0x0, $0x0  }
0x1ae: {  	v1 =	vld.msk @!p1 [tilespmem:s13+$0x0], $0x1;
	_ =	sdelay $0x4  }
0x1af: {  	(v2sf) =	vpush @!p1 v1, $0x0;
	_ =	sdelay $0xd  }
0x1b0: {  	p3 =	sne.s32 s6, $0x1  }
.Ltmp23:
0x1b1: {  	s0 =	spop @!p1 (v2sf);
	(pc) =	sbr.rel @!p3 .LBB2_30-.Ltmp23, $4  }
0x1b2: {  	p2 =	seq.s32 @!p1 s12, s0  }
0x1b3: {  	s14 =	simm.s32 $0x0;
	p2 =	por !p2, p1  }
0x1b4: {  	s2 =	simm.s32 $0xFFFFFFFF;
	s14 =	simm.s32 @p2 $0xFFFFFFFF  }
0x1b5: {  	s0 =	simm.s32 $0x1;
	s14 =	smov.u32 @p1 s2  }
.LBB2_29:
0x1b6: {  	s2 =	smov.u32 s14;
	p1 =	sne.s32 s14, $0xFFFFFFFF  }
0x1b7: {  	s13 =	sadd.s32 $0x1, s13;
	s14 =	smov.u32 s0;
	s0 =	sadd.s32 $0x1, s0  }
0x1b8: {  	p2 =	sne.s32 s6, s0;
	v1 =	vld.msk @!p1 [tilespmem:s13+$0x0], $0x1;
	_ =	sdelay $0x4  }
0x1b9: {  	(v2sf) =	vpush @!p1 v1, $0x0;
	_ =	sdelay $0xe  }
.Ltmp24:
0x1ba: {  	s3 =	spop @!p1 (v2sf);
	(pc) =	sbr.rel @p2 .LBB2_29-.Ltmp24, $4  }
0x1bb: {  	p3 =	seq.s32 @!p1 s12, s3  }
0x1bc: {  	p3 =	por !p3, p1  }
0x1bd: {  	s14 =	simm.s32 @p3 $0xFFFFFFFF  }
0x1be: {  	s14 =	smov.u32 @p1 s2  }
.LBB2_30:
0x1bf: {  	p1 =	seq.s32 s14, $0xFFFFFFFF  }
.Ltmp25:
0x1c0: {  	_ = 	snop;
	(pc) =	sbr.rel @p1 .LBB2_32-.Ltmp25, $1  }
0x1c1: {  	_ =	sdelay $0x3  }
0x1c2: {  	s0 =	sshll.u32 s11, $0x7  }
0x1c3: {  	s2 =	sshll.u32 s14, $0x9;
	s0 =	sand.u32 $0x3FFFFF80, s0  }
0x1c4: {  	s2 =	sshra.s32 s2, $0x2;
	v0 =	vld [tilespmem:s0+$0xF238]  }
0x1c5: {  	v1 =	vld [tilespmem:s2+$0xF238];
	_ =	sdelay $0x4  }
0x1c6: {  	v0 =	vmax.f32 v0, v1  }
0x1c7: {  	v57 =	vld [tilespmem:s2+$0xF248];
	[tilespmem:s2+$0xF238] =	vst v0  }
0x1c8: {  	v0 =	vld [tilespmem:s0+$0xF248];
	_ =	sdelay $0x4  }
0x1c9: {  	v0 =	vmax.f32 v0, v57  }
0x1ca: {  	v58 =	vld [tilespmem:s2+$0xF258];
	[tilespmem:s2+$0xF248] =	vst v0  }
0x1cb: {  	v0 =	vld [tilespmem:s0+$0xF258];
	_ =	sdelay $0x4  }
0x1cc: {  	v0 =	vmax.f32 v0, v58  }
0x1cd: {  	v59 =	vld [tilespmem:s2+$0xF268];
	[tilespmem:s2+$0xF258] =	vst v0  }
0x1ce: {  	v0 =	vld [tilespmem:s0+$0xF268];
	_ =	sdelay $0x4  }
0x1cf: {  	v0 =	vmax.f32 v0, v59  }
0x1d0: {  	v60 =	vld [tilespmem:s2+$0xF278];
	[tilespmem:s2+$0xF268] =	vst v0  }
0x1d1: {  	v0 =	vld [tilespmem:s0+$0xF278];
	_ =	sdelay $0x4  }
0x1d2: {  	v0 =	vmax.f32 v0, v60  }
0x1d3: {  	v61 =	vld [tilespmem:s2+$0xF288];
	[tilespmem:s2+$0xF278] =	vst v0  }
0x1d4: {  	v0 =	vld [tilespmem:s0+$0xF288];
	_ =	sdelay $0x4  }
0x1d5: {  	v0 =	vmax.f32 v0, v61  }
0x1d6: {  	v62 =	vld [tilespmem:s2+$0xF298];
	[tilespmem:s2+$0xF288] =	vst v0  }
0x1d7: {  	v0 =	vld [tilespmem:s0+$0xF298];
	_ =	sdelay $0x4  }
0x1d8: {  	v0 =	vmax.f32 v0, v62  }
0x1d9: {  	v63 =	vld [tilespmem:s2+$0xF2A8];
	[tilespmem:s2+$0xF298] =	vst v0  }
0x1da: {  	v0 =	vld [tilespmem:s0+$0xF2A8];
	_ =	sdelay $0x1  }
.Ltmp26:
0x1db: {  	_ = 	snop;
	(pc) =	sbr.rel .LBB2_33-.Ltmp26, $3  }
0x1dc: {  	_ =	sdelay $0x1  }
0x1dd: {  	v0 =	vmax.f32 v0, v63  }
0x1de: {  	[tilespmem:s2+$0xF2A8] =	vst v0  }
.LBB2_34:
0x1df: {  	s0 =	simm.s32 $0x6;
	p1 =	seq.s32 s6, $0x0  }
0x1e0: {  	[sflag:s0] =	ssyncpa.u1 $0x1;
	v0 =	vimm.s32 @p1 $0xFFFFFFFF  }
0x1e1: {  	s9 =	sadd.s32 $0xFFFFFFFF, s6;
	[tilespmem:$0x10238] =	vst @p1 v0  }
0x1e2: {  	v0 =	vld.msk @!p1 [tilespmem:s9+$0xF218], $0x1;
	_ =	sdelay $0x1  }
0x1e3: {  	v1 =	vld.msk @!p1 [tilespmem:$0xF218], $0x1;
	_ =	sdelay $0x2  }
0x1e4: {  	p2 =	seq.s32 @!p1 s9, $0x0;
	v0 =	vbroadcast @!p1 v0, $0x0  }
0x1e5: {  	vm0 =	vmmov @!p1 $0x1;
	p2 =	por !p2, p1  }
0x1e6: {  	v1 =	vnsel @!p1 vm0, $0xFFFFFFFF, v1;
	vm0 =	vcmask @!p1 $0x308;
	v0 =	vpsel !p2, $0xFFFFFFFF, v0  }
0x1e7: {  	p2 =	sne.s32 @!p1 s8, s7;
	v0 =	vsel @!p1 vm0, v1, v0  }
0x1e8: {  	s0 =	simm.s32 @!p1 $0xF238;
	s2 =	simm.s32 @!p1 $0x0;
	p3 =	por !p2, p1;
	[tilespmem:$0x10238] =	vst @!p1 v0  }
0x1e9: {  	[spmem:s2] =	stream.linear.scatter @!p1 [tilespmem:s0], [sflag:$0x1], $0x80, $0x38;
	[tilespmem:$0x1F6F8] =	vst v63  }
0x1ea: {  	s0 =	sshll.u32 @!p3 s9, $0x9  }
0x1eb: {  	s0 =	sshra.s32 @!p3 s0, $0x2  }
0x1ec: {  	s2 =	simm.s32 @!p3 $0x80;
	s0 =	sadd.s32 @!p3 $0xF238, s0  }
0x1ed: {  	[spmem:s2] =	stream.linear.scatter @!p3 [tilespmem:s0], [sflag:$0x1], $0x80, $0x38;
	[tilespmem:$0x1F6F8] =	vst v63  }
0x1ee: {  	s0 =	simm.s32 @!p3 $0x1  }
0x1ef: {  	_ =	swait.ge @!p3 [sflag:s0], $0x100  }
0x1f0: {  	p1 =	por p2, p1;
	[sflag:s0] =	ssyncset.done @!p3 $0x0  }
0x1f1: {  	[sflag:s0] =	ssyncadd.s32 @!p3 $0xFFFFFF00;
	s0 =	simm.s32 @!p1 $0x1  }
0x1f2: {  	_ =	swait.ge @!p1 [sflag:s0], $0x80  }
0x1f3: {  	s29 =	simm.s32 $0x10238;
	[sflag:s0] =	ssyncset.done @!p1 $0x0  }
0x1f4: {  	s30 =	simm.s32 $0x1000;
	s31 =	simm.s32 $0x1;
	[sflag:s0] =	ssyncadd.s32 @!p1 $0xFFFFFF80  }
0x1f5: {  	[spmem:s30] =	stream.linear.scatter [tilespmem:s29], [sflag:$0x1], $0x10, $0x38;
	[tilespmem:$0x1F6F8] =	vst v63  }
0x1f6: {  	_ =	swait.ge [sflag:s31], $0x10  }
0x1f7: {  	[sflag:s31] =	ssyncset.done $0x0  }
0x1f8: {  	p1 =	seq.s32 s15, $0x0;
	s8 =	rddreg [dreg:$0x2];
	[sflag:s31] =	ssyncadd.s32 $0xFFFFFFF0  }
0x1f9: {  	s2 =	sshll.u32 @p1 s8, $0xE;
	s7 =	rddreg [dreg:$0x3]  }
0x1fa: {  	s0 =	sadd.s32 @p1 $0x15C3C, s2;
	s2 =	sshll.u32 @p1 s7, $0x11  }
0x1fb: {  	_ =	sfence.stream.spmem;
	s0 =	sor.u32 @p1 s2, s0  }
0x1fc: {  	[sflag:s0] =	ssyncadd.remote.s32 @p1 $0x1;
	s0 =	simm.s32 @p1 $0x4  }
0x1fd: {  	s3 =	simm.s32 @!p1 $0x3C;
	s2 =	sand.u32 $0xFFFFFFFE, s8;
	_ =	swait.ge @p1 [sflag:s0], $0x22  }
0x1fe: {  	s4 =	simm.s32 @!p1 $0x0;
	s2 =	sadd.s32 @!p1 $0x4, s2;
	[sflag:s0] =	ssyncset.done @p1 $0x0  }
0x1ff: {  	s5 =	simm.s32 @!p1 $0x100;
	[sflag:s0] =	ssyncadd.s32 @p1 $0xFFFFFFDE;
	s0 =	sshll.u32 @!p1 s2, $0x1A  }
0x200: {  	s2 =	sshll.u32 @!p1 s2, $0xD;
	s0 =	sor.u32 @!p1 s0, s7;
	_ =	swait.eq @!p1 [sflag:s3], $0x1  }
0x201: {  	s2 =	sor.u32 @!p1 $0x1C04, s2;
	s3 =	simm.s32 @!p1 $0x1C03;
	s0 =	sor.u32 @!p1 $0x80004000, s0  }
0x202: {  	[spmem:s5], [sflag:s2] =	dma.general @!p1 [spmem:s4], [sflag:s3], length:$0x20, [dreg:$0x0], stride_count:$0x0, ici_dest:s0, dma_misc:DstOpCode:WRITE  }
0x203: {  	p2 =	slt.s32 s9, $0x2;
	s4 =	simm.s32 @!p1 $0x200;
	s5 =	simm.s32 @!p1 $0x202  }
0x204: {  	[spmem:s5], [sflag:s2] =	dma.general @!p1 [spmem:s4], [sflag:s3], length:$0x2, [dreg:$0x0], stride_count:$0x0, ici_dest:s0, dma_misc:DstOpCode:WRITE  }
.Ltmp27:
0x205: {  	s0 =	simm.s32 @!p1 $0x3;
	(pc) =	sbr.rel @p2 .LBB2_38-.Ltmp27, $4  }
0x206: {  	s2 =	sshll.u32 @!p1 s8, $0xE;
	_ =	swait.ge @!p1 [sflag:s0], $0x22  }
0x207: {  	s3 =	sshll.u32 @!p1 s7, $0x11;
	s2 =	sadd.s32 @!p1 $0x11C3C, s2;
	[sflag:s0] =	ssyncset.done @!p1 $0x0  }
0x208: {  	[sflag:s0] =	ssyncadd.s32 @!p1 $0xFFFFFFDE;
	s0 =	sor.u32 @!p1 s3, s2  }
0x209: {  	[sflag:s0] =	ssyncadd.remote.s32 @!p1 $0xFFFFFFFF;
	s0 =	simm.s32 $0x0  }
0x20a: {  	s0 =	simm.s32 $0xF219  }
0x20b: {  	v0 =	vld.msk [tilespmem:s0+$0x0], $0x1;
	_ =	sdelay $0x4  }
0x20c: {  	(v2sf) =	vpush v0, $0x0;
	_ =	sdelay $0xb  }
0x20d: {  	s31 =	sadd.s32 $0xFFFFFFFE, s6  }
0x20e: {  	s0 =	sadd.s32 $0xFFFFFFFF, s31  }
0x20f: {  	p2 =	sne.s32 s0, $0x0  }
.Ltmp28:
0x210: {  	s2 =	spop (v2sf);
	(pc) =	sbr.rel @!p2 .LBB2_37-.Ltmp28, $4  }
0x211: {  	s4 =	simm.s32 $0xF2B8;
	s7 =	simm.s32 $0x0;
	p1 =	sgt.u32 s2, $0x3FF0  }
0x212: {  	s5 =	simm.s32 $0x0;
	s6 =	simm.s32 $0xF21A;
	s3 =	sand.u32 @!p1 $0x3FF8, s2  }
0x213: {  	s2 =	sand.u32 @!p1 $0x7, s2;
	s7 =	simm.s32 @!p1 $0x200;
	s3 =	sadd.s32 @!p1 s1, s3  }
0x214: {  	[hbm4b:s3+s2] =	stream.linear.scatter @!p1 [tilespmem:s4], [sflag:$0x5], $0x80, $0x38;
	[tilespmem:$0x1F6F8] =	vst v63  }
.LBB2_36:
0x215: {  	v0 =	vld.msk [tilespmem:s6+$0x0], $0x1;
	s0 =	sadd.s32 $0xFFFFFFFF, s0;
	s5 =	sadd.s32 s5, s7  }
0x216: {  	p1 =	sne.s32 s0, $0x0;
	_ =	sdelay $0x3  }
0x217: {  	(v2sf) =	vpush v0, $0x0;
	_ =	sdelay $0xe  }
.Ltmp29:
0x218: {  	s2 =	spop (v2sf);
	(pc) =	sbr.rel @p1 .LBB2_36-.Ltmp29, $4  }
0x219: {  	s7 =	simm.s32 $0x0;
	p2 =	sgt.u32 s2, $0x3FF0  }
0x21a: {  	s4 =	sadd.s32 $0x80, s4;
	s7 =	simm.s32 @!p2 $0x200;
	s3 =	sand.u32 @!p2 $0x3FF8, s2  }
0x21b: {  	s6 =	sadd.s32 $0x1, s6;
	s2 =	sand.u32 @!p2 $0x7, s2;
	s3 =	sadd.s32 @!p2 s1, s3  }
0x21c: {  	[hbm4b:s3+s2] =	stream.linear.scatter @!p2 [tilespmem:s4], [sflag:$0x5], $0x80, $0x38;
	[tilespmem:$0x1F6F8] =	vst v63  }
.LBB2_37:
0x21d: {  	s0 =	sadd.s32 s5, s7  }
0x21e: {  	s0 =	sshrl.u32 s0, $0x2  }
.LBB2_38:
0x21f: {  	s2 =	simm.s32 $0x5  }
0x220: {  	_ =	swait.ge [sflag:s2], s0  }
0x221: {  	s31 =	ssub.s32 $0x0, s0;
	[sflag:s2] =	ssyncset.done $0x0  }
0x222: {  	[sflag:s2] =	ssyncadd.s32 s31  }
0x223: {  	[sflag:s2] =	ssyncpa.u1 $0x1  }
.LBB2_39:
0x224: {  	s0 =	sor.u32 s15, s16  }
0x225: {  	p1 =	sne.s32 s0, $0x0  }
.Ltmp30:
0x226: {  	_ = 	snop;
	(pc) =	sbr.rel @p1 .LBB2_54-.Ltmp30, $3  }
0x227: {  	_ =	sdelay $0x1  }
0x228: {  	[bflag:$0x0] =	sbarrier.arrive $0xFFFF  }
0x229: {  	_ =	sfence  }
0x22a: {  	s0 =	simm.s32 $0x7  }
0x22b: {  	s2 =	simm.s32 $0x1000;
	s3 =	simm.s32 $0xF218;
	[sflag:s0] =	ssyncpa.u1 $0x0  }
0x22c: {  	[tilespmem:s3], [sflag:$0x7] =	stream.linear.gather [spmem:s2], $0x20, $0x38;
	[tilespmem:$0x1F6F8] =	vst v63  }
0x22d: {  	s30 =	simm.s32 $0xF238;
	s2 =	simm.s32 $0x0  }
0x22e: {  	[tilespmem:s30], [sflag:$0x7] =	stream.linear.gather [spmem:s2], $0x1000, $0x38;
	[tilespmem:$0x1F6F8] =	vst v63  }
.Ltmp31:
0x22f: {  	_ = 	snop;
	(pc) =	sbr.rel .LBB2_41-.Ltmp31, $4  }
0x230: {  	_ =	swait.ge [sflag:s0], $0x1020  }
0x231: {  	[sflag:s0] =	ssyncset.done $0x0  }
0x232: {  	s31 =	simm.s32 $0x8;
	[sflag:s0] =	ssyncadd.s32 $0xFFFFEFE0  }
0x233: {  	s3 =	simm.s32 $0x0;
	[sflag:s31] =	ssyncpa.u1 $0x0  }
.LBB2_47:
0x234: {  	p1 =	slt.u32 s4, $0x3FF1  }
0x235: {  	s0 =	sand.u32 @p1 $0x3FF8, s4  }
0x236: {  	s4 =	sand.u32 @p1 $0x7, s4;
	s5 =	simm.s32 @p1 $0xF188;
	s0 =	sadd.s32 @p1 s1, s0  }
0x237: {  	[tilespmem:s5], [sflag:$0x8] =	stream.linear.gather @p1 [hbm4b:s0+s4], $0x80, $0x38;
	[tilespmem:$0x1F6F8] =	vst v63  }
0x238: {  	s0 =	simm.s32 @p1 $0x8  }
0x239: {  	_ =	swait.ge @p1 [sflag:s0], $0x80  }
0x23a: {  	[sflag:s0] =	ssyncset.done @p1 $0x0  }
0x23b: {  	[sflag:s0] =	ssyncadd.s32 @p1 $0xFFFFFF80;
	s0 =	sshll.u32 @p1 s3, $0x9  }
0x23c: {  	s4 =	sshrl.u32 @p1 s0, $0x2;
	v1 =	vld @p1 [tilespmem:$0xF188]  }
0x23d: {  	v2 =	vld @p1 [tilespmem:s4+$0xF238];
	_ =	sdelay $0x4  }
0x23e: {  	v1 =	vmax.f32 @p1 v1, v2  }
0x23f: {  	v2 =	vld @p1 [tilespmem:s4+$0xF248];
	[tilespmem:s4+$0xF238] =	vst @p1 v1  }
0x240: {  	v1 =	vld @p1 [tilespmem:$0xF198];
	_ =	sdelay $0x4  }
0x241: {  	v1 =	vmax.f32 @p1 v1, v2  }
0x242: {  	v2 =	vld @p1 [tilespmem:s4+$0xF258];
	[tilespmem:s4+$0xF248] =	vst @p1 v1  }
0x243: {  	v1 =	vld @p1 [tilespmem:$0xF1A8];
	_ =	sdelay $0x4  }
0x244: {  	v1 =	vmax.f32 @p1 v1, v2  }
0x245: {  	v2 =	vld @p1 [tilespmem:s4+$0xF268];
	[tilespmem:s4+$0xF258] =	vst @p1 v1  }
0x246: {  	v1 =	vld @p1 [tilespmem:$0xF1B8];
	_ =	sdelay $0x4  }
0x247: {  	v1 =	vmax.f32 @p1 v1, v2  }
0x248: {  	v2 =	vld @p1 [tilespmem:s4+$0xF278];
	[tilespmem:s4+$0xF268] =	vst @p1 v1  }
0x249: {  	v1 =	vld @p1 [tilespmem:$0xF1C8];
	_ =	sdelay $0x4  }
0x24a: {  	v1 =	vmax.f32 @p1 v1, v2  }
0x24b: {  	v2 =	vld @p1 [tilespmem:s4+$0xF288];
	[tilespmem:s4+$0xF278] =	vst @p1 v1  }
0x24c: {  	v1 =	vld @p1 [tilespmem:$0xF1D8];
	_ =	sdelay $0x4  }
0x24d: {  	v1 =	vmax.f32 @p1 v1, v2  }
0x24e: {  	v2 =	vld @p1 [tilespmem:s4+$0xF298];
	[tilespmem:s4+$0xF288] =	vst @p1 v1  }
0x24f: {  	v1 =	vld @p1 [tilespmem:$0xF1E8];
	_ =	sdelay $0x4  }
0x250: {  	v1 =	vmax.f32 @p1 v1, v2  }
0x251: {  	v2 =	vld @p1 [tilespmem:s4+$0xF2A8];
	[tilespmem:s4+$0xF298] =	vst @p1 v1  }
0x252: {  	v1 =	vld @p1 [tilespmem:$0xF1F8];
	_ =	sdelay $0x4  }
0x253: {  	s5 =	sshll.u32 @!p1 s3, $0x9;
	v1 =	vmax.f32 @p1 v1, v2  }
0x254: {  	s5 =	smov.u32 @p1 s0;
	[tilespmem:s4+$0xF2A8] =	vst @p1 v1  }
0x255: {  	s0 =	sshrl.u32 s5, $0x2;
	[tilespmem:s2+$0xF218] =	vst.msk $0x1, v0  }
0x256: {  	v0 =	vld [tilespmem:s0+$0xF238];
	_ =	sdelay $0x2  }
0x257: {  	s31 =	sshll.u32 s2, $0x9  }
0x258: {  	s4 =	sshra.s32 s31, $0x2  }
0x259: {  	[tilespmem:s4+$0xF238] =	vst v0  }
0x25a: {  	v0 =	vld [tilespmem:s0+$0xF248];
	_ =	sdelay $0x4  }
0x25b: {  	[tilespmem:s4+$0xF248] =	vst v0  }
0x25c: {  	v0 =	vld [tilespmem:s0+$0xF258];
	_ =	sdelay $0x4  }
0x25d: {  	[tilespmem:s4+$0xF258] =	vst v0  }
0x25e: {  	v0 =	vld [tilespmem:s0+$0xF268];
	_ =	sdelay $0x4  }
0x25f: {  	[tilespmem:s4+$0xF268] =	vst v0  }
0x260: {  	v0 =	vld [tilespmem:s0+$0xF278];
	_ =	sdelay $0x4  }
0x261: {  	[tilespmem:s4+$0xF278] =	vst v0  }
0x262: {  	v0 =	vld [tilespmem:s0+$0xF288];
	_ =	sdelay $0x4  }
0x263: {  	[tilespmem:s4+$0xF288] =	vst v0  }
0x264: {  	v0 =	vld [tilespmem:s0+$0xF298];
	_ =	sdelay $0x4  }
0x265: {  	[tilespmem:s4+$0xF298] =	vst v0  }
0x266: {  	v0 =	vld [tilespmem:s0+$0xF2A8];
	_ =	sdelay $0x4  }
0x267: {  	s2 =	sadd.s32 $0x1, s2;
	[tilespmem:s4+$0xF2A8] =	vst v0  }
.LBB2_48:
0x268: {  	s3 =	sadd.s32 $0x1, s3  }
0x269: {  	p1 =	sne.s32 s3, $0x20  }
.Ltmp32:
0x26a: {  	_ = 	snop;
	(pc) =	sbr.rel @!p1 .LBB2_49-.Ltmp32, $1  }
0x26b: {  	_ =	sdelay $0x3  }
.LBB2_41:
0x26c: {  	v0 =	vld.msk [tilespmem:s3+$0xF218], $0x1;
	_ =	sdelay $0x4  }
0x26d: {  	(v2sf) =	vpush v0, $0x0;
	_ =	sdelay $0xe  }
0x26e: {  	s4 =	spop (v2sf)  }
0x26f: {  	p1 =	seq.s32 s4, $0xFFFFFFFF  }
.Ltmp33:
0x270: {  	_ = 	snop;
	(pc) =	sbr.rel @p1 .LBB2_48-.Ltmp33, $1  }
0x271: {  	_ =	sdelay $0x3  }
0x272: {  	p1 =	slt.s32 s2, $0x1  }
.Ltmp34:
0x273: {  	_ = 	snop;
	(pc) =	sbr.rel @p1 .LBB2_47-.Ltmp34, $1  }
0x274: {  	_ =	sdelay $0x3  }
0x275: {  	s5 =	simm.s32 $0xF218;
	p1 =	por $0x0, $0x0  }
0x276: {  	v1 =	vld.msk @!p1 [tilespmem:s5+$0x0], $0x1;
	_ =	sdelay $0x4  }
0x277: {  	(v2sf) =	vpush @!p1 v1, $0x0;
	_ =	sdelay $0xd  }
0x278: {  	p3 =	sne.s32 s2, $0x1  }
.Ltmp35:
0x279: {  	s0 =	spop @!p1 (v2sf);
	(pc) =	sbr.rel @!p3 .LBB2_45-.Ltmp35, $4  }
0x27a: {  	p2 =	seq.s32 @!p1 s4, s0  }
0x27b: {  	s6 =	simm.s32 $0x0;
	p2 =	por !p2, p1  }
0x27c: {  	s7 =	simm.s32 $0xFFFFFFFF;
	s6 =	simm.s32 @p2 $0xFFFFFFFF  }
0x27d: {  	s0 =	simm.s32 $0x1;
	s6 =	smov.u32 @p1 s7  }
.LBB2_44:
0x27e: {  	s7 =	smov.u32 s6;
	p1 =	sne.s32 s6, $0xFFFFFFFF  }
0x27f: {  	s5 =	sadd.s32 $0x1, s5;
	s6 =	smov.u32 s0;
	s0 =	sadd.s32 $0x1, s0  }
0x280: {  	p2 =	sne.s32 s2, s0;
	v1 =	vld.msk @!p1 [tilespmem:s5+$0x0], $0x1;
	_ =	sdelay $0x4  }
0x281: {  	(v2sf) =	vpush @!p1 v1, $0x0;
	_ =	sdelay $0xe  }
.Ltmp36:
0x282: {  	s8 =	spop @!p1 (v2sf);
	(pc) =	sbr.rel @p2 .LBB2_44-.Ltmp36, $4  }
0x283: {  	p3 =	seq.s32 @!p1 s4, s8  }
0x284: {  	p3 =	por !p3, p1  }
0x285: {  	s6 =	simm.s32 @p3 $0xFFFFFFFF  }
0x286: {  	s6 =	smov.u32 @p1 s7  }
.LBB2_45:
0x287: {  	p1 =	seq.s32 s6, $0xFFFFFFFF  }
.Ltmp37:
0x288: {  	_ = 	snop;
	(pc) =	sbr.rel @p1 .LBB2_47-.Ltmp37, $1  }
0x289: {  	_ =	sdelay $0x3  }
0x28a: {  	s0 =	sshll.u32 s3, $0x7  }
0x28b: {  	s4 =	sshll.u32 s6, $0x9;
	s0 =	sand.u32 $0x3FFFFF80, s0  }
0x28c: {  	s4 =	sshra.s32 s4, $0x2;
	v0 =	vld [tilespmem:s0+$0xF238]  }
0x28d: {  	v1 =	vld [tilespmem:s4+$0xF238];
	_ =	sdelay $0x4  }
0x28e: {  	v0 =	vmax.f32 v0, v1  }
0x28f: {  	v57 =	vld [tilespmem:s4+$0xF248];
	[tilespmem:s4+$0xF238] =	vst v0  }
0x290: {  	v0 =	vld [tilespmem:s0+$0xF248];
	_ =	sdelay $0x4  }
0x291: {  	v0 =	vmax.f32 v0, v57  }
0x292: {  	v58 =	vld [tilespmem:s4+$0xF258];
	[tilespmem:s4+$0xF248] =	vst v0  }
0x293: {  	v0 =	vld [tilespmem:s0+$0xF258];
	_ =	sdelay $0x4  }
0x294: {  	v0 =	vmax.f32 v0, v58  }
0x295: {  	v59 =	vld [tilespmem:s4+$0xF268];
	[tilespmem:s4+$0xF258] =	vst v0  }
0x296: {  	v0 =	vld [tilespmem:s0+$0xF268];
	_ =	sdelay $0x4  }
0x297: {  	v0 =	vmax.f32 v0, v59  }
0x298: {  	v60 =	vld [tilespmem:s4+$0xF278];
	[tilespmem:s4+$0xF268] =	vst v0  }
0x299: {  	v0 =	vld [tilespmem:s0+$0xF278];
	_ =	sdelay $0x4  }
0x29a: {  	v0 =	vmax.f32 v0, v60  }
0x29b: {  	v61 =	vld [tilespmem:s4+$0xF288];
	[tilespmem:s4+$0xF278] =	vst v0  }
0x29c: {  	v0 =	vld [tilespmem:s0+$0xF288];
	_ =	sdelay $0x4  }
0x29d: {  	v0 =	vmax.f32 v0, v61  }
0x29e: {  	v62 =	vld [tilespmem:s4+$0xF298];
	[tilespmem:s4+$0xF288] =	vst v0  }
0x29f: {  	v0 =	vld [tilespmem:s0+$0xF298];
	_ =	sdelay $0x4  }
0x2a0: {  	v0 =	vmax.f32 v0, v62  }
0x2a1: {  	v63 =	vld [tilespmem:s4+$0xF2A8];
	[tilespmem:s4+$0xF298] =	vst v0  }
0x2a2: {  	v0 =	vld [tilespmem:s0+$0xF2A8];
	_ =	sdelay $0x1  }
.Ltmp38:
0x2a3: {  	_ = 	snop;
	(pc) =	sbr.rel .LBB2_48-.Ltmp38, $3  }
0x2a4: {  	_ =	sdelay $0x1  }
0x2a5: {  	v0 =	vmax.f32 v0, v63  }
0x2a6: {  	[tilespmem:s4+$0xF2A8] =	vst v0  }
.LBB2_49:
0x2a7: {  	p1 =	slt.s32 s2, $0x1  }
.Ltmp39:
0x2a8: {  	_ = 	snop;
	(pc) =	sbr.rel @p1 .LBB2_53-.Ltmp39, $3  }
0x2a9: {  	_ =	sdelay $0x1  }
0x2aa: {  	s0 =	simm.s32 $0x8  }
0x2ab: {  	s3 =	simm.s32 $0x0;
	[sflag:s0] =	ssyncpa.u1 $0x1  }
0x2ac: {  	s0 =	simm.s32 $0xF218  }
0x2ad: {  	v0 =	vld.msk [tilespmem:s0+$0x0], $0x1;
	_ =	sdelay $0x4  }
0x2ae: {  	(v2sf) =	vpush v0, $0x0;
	_ =	sdelay $0xe  }
0x2af: {  	s0 =	sadd.s32 $0xFFFFFFFF, s2;
	s5 =	spop (v2sf)  }
0x2b0: {  	p2 =	sne.s32 s0, $0x0;
	p1 =	sgt.u32 s5, $0x3FF0  }
.Ltmp40:
0x2b1: {  	s6 =	sand.u32 @!p1 $0x3FF8, s5;
	(pc) =	sbr.rel @!p2 .LBB2_52-.Ltmp40, $4  }
0x2b2: {  	s4 =	simm.s32 $0xF238;
	s5 =	sand.u32 @!p1 $0x7, s5;
	s2 =	sadd.s32 @!p1 s1, s6  }
0x2b3: {  	[hbm4b:s2+s5] =	stream.linear.scatter @!p1 [tilespmem:s4], [sflag:$0x7], $0x80, $0x38;
	[tilespmem:$0x1F6F8] =	vst v63  }
0x2b4: {  	s5 =	simm.s32 $0x0  }
0x2b5: {  	s2 =	simm.s32 $0xF219;
	s5 =	simm.s32 @!p1 $0x200  }
.LBB2_51:
0x2b6: {  	v0 =	vld.msk [tilespmem:s2+$0x0], $0x1;
	s0 =	sadd.s32 $0xFFFFFFFF, s0;
	s3 =	sadd.s32 s3, s5  }
0x2b7: {  	p1 =	sne.s32 s0, $0x0;
	_ =	sdelay $0x3  }
0x2b8: {  	(v2sf) =	vpush v0, $0x0;
	_ =	sdelay $0xe  }
.Ltmp41:
0x2b9: {  	s6 =	spop (v2sf);
	(pc) =	sbr.rel @p1 .LBB2_51-.Ltmp41, $4  }
0x2ba: {  	s5 =	simm.s32 $0x0;
	p2 =	sgt.u32 s6, $0x3FF0  }
0x2bb: {  	s4 =	sadd.s32 $0x80, s4;
	s5 =	simm.s32 @!p2 $0x200;
	s7 =	sand.u32 @!p2 $0x3FF8, s6  }
0x2bc: {  	s2 =	sadd.s32 $0x1, s2;
	s6 =	sand.u32 @!p2 $0x7, s6;
	s7 =	sadd.s32 @!p2 s1, s7  }
0x2bd: {  	[hbm4b:s7+s6] =	stream.linear.scatter @!p2 [tilespmem:s4], [sflag:$0x7], $0x80, $0x38;
	[tilespmem:$0x1F6F8] =	vst v63  }
.LBB2_52:
0x2be: {  	s0 =	sadd.s32 s3, s5  }
0x2bf: {  	s3 =	sshrl.u32 s0, $0x2  }
.LBB2_53:
0x2c0: {  	s0 =	simm.s32 $0x7  }
0x2c1: {  	_ =	swait.ge [sflag:s0], s3  }
0x2c2: {  	s1 =	ssub.s32 $0x0, s3;
	[sflag:s0] =	ssyncset.done $0x0  }
0x2c3: {  	[sflag:s0] =	ssyncadd.s32 s1  }
0x2c4: {  	[sflag:s0] =	ssyncpa.u1 $0x1  }
.LBB2_54:
0x2c5: {  	_ =	sfence;
	s0 =	simm.s32 $0x1  }
0x2c6: {  	[sflag:s0] =	ssyncpa.u1 $0x1  }
0x2c7: {  	_ =	strace $0x90000047  }
0x2c8: {  	[bflag:$0x2] =	sbarrier.arrive $0xFFFF  }
0x2c9: {  	s0 =	rddreg [dreg:$0x4]  }
0x2ca: {  	s0 =	sadd.s32 @!p0 $0x100000, s0  }
0x2cb: {  	[sflag:s0] =	ssyncadd.tile.s32 @!p0 $0x1;
	_ =	shalt  }
.Lfunc_end2:
_tile_overlayer_lowered:
.L_overlay_start_2:
0x2cc: {  	(tag) =	ssettag $0x2  }
0x2cd: {  	s0 =	rddreg [dreg:$0x0];
	s2 =	stileid.u32  }
0x2ce: {  	s1 =	rddreg [dreg:$0x1];
	p0 =	sne.s32 s2, $0x0  }
0x2cf: {  	s3 =	rddreg [dreg:$0x2];
	[bflag:$0x3] =	sbarrier.arrive $0xFFFF;
	s2 =	simm.s32 @!p0 $0x1C01  }
0x2d0: {  	[timem:s3], [sflag:s2] =	dma.local @!p0 [hbm:s0], s1  }
0x2d1: {  	s0 =	simm.s32 @!p0 $0x1  }
0x2d2: {  	_ =	swait.ge @!p0 [sflag:s0], s1  }
0x2d3: {  	s1 =	ssub.s32 @!p0 $0x0, s1;
	[sflag:s0] =	ssyncset.done @!p0 $0x0  }
0x2d4: {  	[sflag:s0] =	ssyncadd.s32 @!p0 s1  }
0x2d5: {  	[bflag:$0x3] =	sbarrier.arrive $0xFFFF  }
0x2d6: {  	_ =	shalt  }

</sc_bundles>
